<compile_context>
chip_gen: v7x
topology: tpu7x:2x2x1
jax: 0.10.2.dev20260603
libtpu: 0.0.44.dev20260713+nightly
codegen_flags: <defaults>
</compile_context>

<pallas_src>
import jax
import jax.numpy as jnp
import numpy as np
from jax import lax
from jax.experimental import pallas as pl

NSUB = 16
BATCH_BLOCK = 512
GROUP_BLOCK = 8


def _hoa_body(x0_ref, x1_ref, x2_ref, x3_ref, ch_ref, cl_ref, o_ref):
    nd = GROUP_BLOCK * 32
    a0 = jnp.transpose(x0_ref[...])
    a1 = jnp.transpose(x1_ref[...])
    a2 = jnp.transpose(x2_ref[...])
    a3 = jnp.transpose(x3_ref[...])
    m3 = jnp.minimum(a0, a1)
    m5 = jnp.minimum(a0, a2)
    m6 = jnp.minimum(a1, a2)
    m9 = jnp.minimum(a0, a3)
    m10 = jnp.minimum(a1, a3)
    m12 = jnp.minimum(a2, a3)
    m7 = jnp.minimum(m3, a2)
    m11 = jnp.minimum(m3, a3)
    m13 = jnp.minimum(m5, a3)
    m14 = jnp.minimum(m6, a3)
    m15 = jnp.minimum(m7, a3)
    m0 = jnp.maximum(jnp.maximum(a0, a1), jnp.maximum(a2, a3))
    rows = [m0, a0, a1, m3, a2, m5, m6, m7, a3, m9, m10, m11, m12, m13, m14, m15]
    dn = (((0,), (0,)), ((), ()))
    nclust = a0.shape[0] // GROUP_BLOCK
    for jj in range(nclust):
        s = jj * GROUP_BLOCK
        e = s + GROUP_BLOCK
        m = jnp.concatenate([r[s:e] for r in rows], axis=0)
        mh = lax.bitcast_convert_type(
            lax.bitcast_convert_type(m, jnp.int32) & jnp.int32(-65536),
            jnp.float32)
        ml = m - mh
        ch = ch_ref[jj]
        cl = cl_ref[jj]
        o_ref[:, jj * nd:(jj + 1) * nd] = (
            lax.dot_general(mh, ch, dn, preferred_element_type=jnp.float32)
            + lax.dot_general(ml, ch, dn, preferred_element_type=jnp.float32)
            + lax.dot_general(mh, cl, dn, preferred_element_type=jnp.float32))


def kernel(X, params):
    B, G, A = X.shape
    D = params.shape[-1]
    GB, BB = GROUP_BLOCK, BATCH_BLOCK

    xs = [X[:, :, i] for i in range(A)]

    c = params.reshape(G, 2, 2, 2, 2, D)
    for ax in (1, 2, 3, 4):
        lo = lax.slice_in_dim(c, 0, 1, axis=ax)
        hi = lax.slice_in_dim(c, 1, 2, axis=ax)
        c = jnp.concatenate([lo, hi - lo], axis=ax)
    cmob = c.reshape(G, NSUB, D)
    cmob = cmob.at[:, 0, :].set(params[:, 0, :])
    cbd = jnp.einsum('cjtd,jk->ctjkd', cmob.reshape(G // GB, GB, NSUB, D),
                     jnp.eye(GB, dtype=cmob.dtype))
    cbd = cbd.reshape(G // GB, NSUB * GB, GB * D)
    cbd_h = lax.bitcast_convert_type(
        lax.bitcast_convert_type(cbd, jnp.int32) & jnp.int32(-65536),
        jnp.float32)
    cbd_l = cbd - cbd_h

    grid = (B // BB,)
    xspec = pl.BlockSpec((BB, G), lambda b: (b, 0))
    cspec = pl.BlockSpec((G // GB, NSUB * GB, GB * D), lambda b: (0, 0, 0))
    out2 = pl.pallas_call(
        _hoa_body,
        grid=grid,
        in_specs=[xspec, xspec, xspec, xspec, cspec, cspec],
        out_specs=pl.BlockSpec((BB, G * D), lambda b: (b, 0)),
        out_shape=jax.ShapeDtypeStruct((B, G * D), jnp.float32),
    )(*xs, cbd_h, cbd_l)
    return out2.reshape(B, G, D)

# --- scband reference (transcript-rebuilt; emitter-appended) ---
"""Pipeline reference for scband-high-order-activation-33354716021638 (READ-ONLY COPY).

The authoritative reference and input builder live on the scoring server;
editing this copy changes nothing except your own understanding.
"""

import jax, jax.numpy as jnp
import numpy as np

ARITY = 4
GROUPS = 128
OUT_DIM = 32
BATCH = 4096


def setup_inputs(seed: int = 0) -> dict:
    key = jax.random.key(seed)
    k1, k2 = jax.random.split(key)
    X = jax.random.normal(k1, (BATCH, GROUPS, ARITY), dtype=jnp.float32)
    params = jax.random.normal(k2, (GROUPS, 2 ** ARITY, OUT_DIM), dtype=jnp.float32)
    return {"X": X, "params": params}


def _high_order_act(A, params):
    # sort along arity dim, keep indices
    A_ind = jnp.argsort(A, axis=2)
    A_sort = jnp.take_along_axis(A, A_ind, axis=2)
    A_diff = A_sort[:, :, 1:] - A_sort[:, :, :-1]
    coef = jnp.concatenate([A_sort[:, :, 0:1], A_diff], axis=2)  # [B, G, arity]
    # suffix cumsum of 2**A_ind along arity dim
    pow2 = jnp.left_shift(jnp.ones_like(A_ind), A_ind)  # 2 ** A_ind, int
    params_A_ind = jnp.flip(jnp.cumsum(jnp.flip(pow2, axis=2), axis=2), axis=2)  # [B, G, arity]
    ind0 = jnp.arange(params.shape[0], dtype=jnp.int64 if params_A_ind.dtype == jnp.int64 else jnp.int32)[:, None, None]  # [G,1,1]
    ind1 = jnp.transpose(params_A_ind, (1, 0, 2))  # [G, B, arity]
    params_gather = params[ind0, ind1, :]  # [G, B, arity, D]
    out = jnp.einsum('jikl,ijk->ijl', params_gather, coef)  # [B, G, D]
    return out


def reference(X, params):
    return _high_order_act(X, params)

if __name__ == "__main__":
    import jax
    _d = setup_inputs()
    print(jax.jit(kernel)(*tuple(_d.values())))

</pallas_src>

<mosaic_0001>
module attributes {stable_mosaic.version = 14 : i64} {
  func.func @_hoa_body(%arg0: i32, %arg1: memref<512x128xf32, #tpu.memory_space<vmem>>, %arg2: memref<512x128xf32, #tpu.memory_space<vmem>>, %arg3: memref<512x128xf32, #tpu.memory_space<vmem>>, %arg4: memref<512x128xf32, #tpu.memory_space<vmem>>, %arg5: memref<16x128x256xf32, #tpu.memory_space<vmem>>, %arg6: memref<16x128x256xf32, #tpu.memory_space<vmem>>, %arg7: memref<512x4096xf32, #tpu.memory_space<vmem>>) attributes {dimension_semantics = [#tpu.dimension_semantics<arbitrary>], iteration_bounds = array<i64: 8>, scalar_prefetch = 0 : i64, scratch_operands = 0 : i64, tpu.core_type = #tpu.core_type<tc>, window_params = [{transform_indices = @transform_0, window_bounds = array<i64: 512, 128>}, {transform_indices = @transform_1, window_bounds = array<i64: 512, 128>}, {transform_indices = @transform_2, window_bounds = array<i64: 512, 128>}, {transform_indices = @transform_3, window_bounds = array<i64: 512, 128>}, {pipeline_mode = #tpu.pipeline_mode<synchronous>, transform_indices = @transform_4, window_bounds = array<i64: 16, 128, 256>}, {pipeline_mode = #tpu.pipeline_mode<synchronous>, transform_indices = @transform_5, window_bounds = array<i64: 16, 128, 256>}, {transform_indices = @transform_6, window_bounds = array<i64: 512, 4096>}]} {
    %get3A = arith.constant 0 : index
    %get3A_0 = arith.constant 0 : index
    %get3A_1 = vector.load %arg1[%get3A, %get3A_0] : memref<512x128xf32, #tpu.memory_space<vmem>>, vector<512x128xf32>
    %transpose3A = tpu.transpose %get3A_1, [1, 0] : vector<512x128xf32> -> vector<128x512xf32>
    %get3A_2 = arith.constant 0 : index
    %get3A_3 = arith.constant 0 : index
    %get3A_4 = vector.load %arg2[%get3A_2, %get3A_3] : memref<512x128xf32, #tpu.memory_space<vmem>>, vector<512x128xf32>
    %transpose3A_5 = tpu.transpose %get3A_4, [1, 0] : vector<512x128xf32> -> vector<128x512xf32>
    %get3A_6 = arith.constant 0 : index
    %get3A_7 = arith.constant 0 : index
    %get3A_8 = vector.load %arg3[%get3A_6, %get3A_7] : memref<512x128xf32, #tpu.memory_space<vmem>>, vector<512x128xf32>
    %transpose3A_9 = tpu.transpose %get3A_8, [1, 0] : vector<512x128xf32> -> vector<128x512xf32>
    %get3A_10 = arith.constant 0 : index
    %get3A_11 = arith.constant 0 : index
    %get3A_12 = vector.load %arg4[%get3A_10, %get3A_11] : memref<512x128xf32, #tpu.memory_space<vmem>>, vector<512x128xf32>
    %transpose3A_13 = tpu.transpose %get3A_12, [1, 0] : vector<512x128xf32> -> vector<128x512xf32>
    %min3A = arith.minimumf %transpose3A, %transpose3A_5 : vector<128x512xf32>
    %min3A_14 = arith.minimumf %transpose3A, %transpose3A_9 : vector<128x512xf32>
    %min3A_15 = arith.minimumf %transpose3A_5, %transpose3A_9 : vector<128x512xf32>
    %min3A_16 = arith.minimumf %transpose3A, %transpose3A_13 : vector<128x512xf32>
    %min3A_17 = arith.minimumf %transpose3A_5, %transpose3A_13 : vector<128x512xf32>
    %min3A_18 = arith.minimumf %transpose3A_9, %transpose3A_13 : vector<128x512xf32>
    %min3A_19 = arith.minimumf %min3A, %transpose3A_9 : vector<128x512xf32>
    %min3A_20 = arith.minimumf %min3A, %transpose3A_13 : vector<128x512xf32>
    %min3A_21 = arith.minimumf %min3A_14, %transpose3A_13 : vector<128x512xf32>
    %min3A_22 = arith.minimumf %min3A_15, %transpose3A_13 : vector<128x512xf32>
    %min3A_23 = arith.minimumf %min3A_19, %transpose3A_13 : vector<128x512xf32>
    %max3A = arith.maximumf %transpose3A, %transpose3A_5 : vector<128x512xf32>
    %max3A_24 = arith.maximumf %transpose3A_9, %transpose3A_13 : vector<128x512xf32>
    %max3A_25 = arith.maximumf %max3A, %max3A_24 : vector<128x512xf32>
    %slice3A = vector.extract_strided_slice %max3A_25 {offsets = [0, 0], sizes = [8, 512], strides = [1, 1]} : vector<128x512xf32> to vector<8x512xf32>
    %slice3A_26 = vector.extract_strided_slice %transpose3A {offsets = [0, 0], sizes = [8, 512], strides = [1, 1]} : vector<128x512xf32> to vector<8x512xf32>
    %slice3A_27 = vector.extract_strided_slice %transpose3A_5 {offsets = [0, 0], sizes = [8, 512], strides = [1, 1]} : vector<128x512xf32> to vector<8x512xf32>
    %slice3A_28 = vector.extract_strided_slice %min3A {offsets = [0, 0], sizes = [8, 512], strides = [1, 1]} : vector<128x512xf32> to vector<8x512xf32>
    %slice3A_29 = vector.extract_strided_slice %transpose3A_9 {offsets = [0, 0], sizes = [8, 512], strides = [1, 1]} : vector<128x512xf32> to vector<8x512xf32>
    %slice3A_30 = vector.extract_strided_slice %min3A_14 {offsets = [0, 0], sizes = [8, 512], strides = [1, 1]} : vector<128x512xf32> to vector<8x512xf32>
    %slice3A_31 = vector.extract_strided_slice %min3A_15 {offsets = [0, 0], sizes = [8, 512], strides = [1, 1]} : vector<128x512xf32> to vector<8x512xf32>
    %slice3A_32 = vector.extract_strided_slice %min3A_19 {offsets = [0, 0], sizes = [8, 512], strides = [1, 1]} : vector<128x512xf32> to vector<8x512xf32>
    %slice3A_33 = vector.extract_strided_slice %transpose3A_13 {offsets = [0, 0], sizes = [8, 512], strides = [1, 1]} : vector<128x512xf32> to vector<8x512xf32>
    %slice3A_34 = vector.extract_strided_slice %min3A_16 {offsets = [0, 0], sizes = [8, 512], strides = [1, 1]} : vector<128x512xf32> to vector<8x512xf32>
    %slice3A_35 = vector.extract_strided_slice %min3A_17 {offsets = [0, 0], sizes = [8, 512], strides = [1, 1]} : vector<128x512xf32> to vector<8x512xf32>
    %slice3A_36 = vector.extract_strided_slice %min3A_20 {offsets = [0, 0], sizes = [8, 512], strides = [1, 1]} : vector<128x512xf32> to vector<8x512xf32>
    %slice3A_37 = vector.extract_strided_slice %min3A_18 {offsets = [0, 0], sizes = [8, 512], strides = [1, 1]} : vector<128x512xf32> to vector<8x512xf32>
    %slice3A_38 = vector.extract_strided_slice %min3A_21 {offsets = [0, 0], sizes = [8, 512], strides = [1, 1]} : vector<128x512xf32> to vector<8x512xf32>
    %slice3A_39 = vector.extract_strided_slice %min3A_22 {offsets = [0, 0], sizes = [8, 512], strides = [1, 1]} : vector<128x512xf32> to vector<8x512xf32>
    %slice3A_40 = vector.extract_strided_slice %min3A_23 {offsets = [0, 0], sizes = [8, 512], strides = [1, 1]} : vector<128x512xf32> to vector<8x512xf32>
    %concatenate3A = tpu.concatenate %slice3A, %slice3A_26, %slice3A_27, %slice3A_28, %slice3A_29, %slice3A_30, %slice3A_31, %slice3A_32, %slice3A_33, %slice3A_34, %slice3A_35, %slice3A_36, %slice3A_37, %slice3A_38, %slice3A_39, %slice3A_40 in 0 : vector<8x512xf32>, vector<8x512xf32>, vector<8x512xf32>, vector<8x512xf32>, vector<8x512xf32>, vector<8x512xf32>, vector<8x512xf32>, vector<8x512xf32>, vector<8x512xf32>, vector<8x512xf32>, vector<8x512xf32>, vector<8x512xf32>, vector<8x512xf32>, vector<8x512xf32>, vector<8x512xf32>, vector<8x512xf32> -> vector<128x512xf32>
    %bitcast_convert_type3A = tpu.bitcast %concatenate3A : vector<128x512xf32> -> vector<128x512xi32>
    %and3A = arith.constant -65536 : i32
    %and3A_41 = vector.broadcast %and3A : i32 to vector<128x512xi32>
    %and3A_42 = arith.andi %bitcast_convert_type3A, %and3A_41 : vector<128x512xi32>
    %bitcast_convert_type3A_43 = tpu.bitcast %and3A_42 : vector<128x512xi32> -> vector<128x512xf32>
    %sub3A = arith.subf %concatenate3A, %bitcast_convert_type3A_43 : vector<128x512xf32>
    %get3A_44 = arith.constant 0 : index
    %get3A_45 = arith.constant 0 : index
    %get3A_46 = arith.constant 0 : index
    %get3A_47 = vector.load %arg5[%get3A_44, %get3A_45, %get3A_46] : memref<16x128x256xf32, #tpu.memory_space<vmem>>, vector<1x128x256xf32>
    %get3A_48 = vector.shape_cast %get3A_47 : vector<1x128x256xf32> to vector<128x256xf32>
    %get3A_49 = arith.constant 0 : index
    %get3A_50 = arith.constant 0 : index
    %get3A_51 = arith.constant 0 : index
    %get3A_52 = vector.load %arg6[%get3A_49, %get3A_50, %get3A_51] : memref<16x128x256xf32, #tpu.memory_space<vmem>>, vector<1x128x256xf32>
    %get3A_53 = vector.shape_cast %get3A_52 : vector<1x128x256xf32> to vector<128x256xf32>
    %dot_general3A = arith.constant dense<0.000000e+00> : vector<512x256xf32>
    %dot_general3A_54 = tpu.matmul %bitcast_convert_type3A_43, %get3A_48, %dot_general3A {dimension_numbers = #tpu.dot_dimension_numbers<[0], [0], [1], [1], [0, 1, 1, 1], [], []>, transpose_lhs_hint = false} : vector<128x512xf32>, vector<128x256xf32>, vector<512x256xf32> -> vector<512x256xf32>
    %dot_general3A_55 = arith.constant dense<0.000000e+00> : vector<512x256xf32>
    %dot_general3A_56 = tpu.matmul %sub3A, %get3A_48, %dot_general3A_55 {dimension_numbers = #tpu.dot_dimension_numbers<[0], [0], [1], [1], [0, 1, 1, 1], [], []>, transpose_lhs_hint = false} : vector<128x512xf32>, vector<128x256xf32>, vector<512x256xf32> -> vector<512x256xf32>
    %add3A = arith.addf %dot_general3A_54, %dot_general3A_56 : vector<512x256xf32>
    %dot_general3A_57 = arith.constant dense<0.000000e+00> : vector<512x256xf32>
    %dot_general3A_58 = tpu.matmul %bitcast_convert_type3A_43, %get3A_53, %dot_general3A_57 {dimension_numbers = #tpu.dot_dimension_numbers<[0], [0], [1], [1], [0, 1, 1, 1], [], []>, transpose_lhs_hint = false} : vector<128x512xf32>, vector<128x256xf32>, vector<512x256xf32> -> vector<512x256xf32>
    %add3A_59 = arith.addf %add3A, %dot_general3A_58 : vector<512x256xf32>
    %swap3A = arith.constant 0 : index
    %swap3A_60 = arith.constant 0 : index
    %swap3A_61 = vector.load %arg7[%swap3A, %swap3A_60] : memref<512x4096xf32, #tpu.memory_space<vmem>>, vector<512x256xf32>
    tpu.vector_store %arg7[%swap3A, %swap3A_60], %add3A_59 {strides = array<i32>} : memref<512x4096xf32, #tpu.memory_space<vmem>>, vector<512x256xf32>,
    %slice3A_62 = vector.extract_strided_slice %max3A_25 {offsets = [8, 0], sizes = [8, 512], strides = [1, 1]} : vector<128x512xf32> to vector<8x512xf32>
    %slice3A_63 = vector.extract_strided_slice %transpose3A {offsets = [8, 0], sizes = [8, 512], strides = [1, 1]} : vector<128x512xf32> to vector<8x512xf32>
    %slice3A_64 = vector.extract_strided_slice %transpose3A_5 {offsets = [8, 0], sizes = [8, 512], strides = [1, 1]} : vector<128x512xf32> to vector<8x512xf32>
    %slice3A_65 = vector.extract_strided_slice %min3A {offsets = [8, 0], sizes = [8, 512], strides = [1, 1]} : vector<128x512xf32> to vector<8x512xf32>
    %slice3A_66 = vector.extract_strided_slice %transpose3A_9 {offsets = [8, 0], sizes = [8, 512], strides = [1, 1]} : vector<128x512xf32> to vector<8x512xf32>
    %slice3A_67 = vector.extract_strided_slice %min3A_14 {offsets = [8, 0], sizes = [8, 512], strides = [1, 1]} : vector<128x512xf32> to vector<8x512xf32>
    %slice3A_68 = vector.extract_strided_slice %min3A_15 {offsets = [8, 0], sizes = [8, 512], strides = [1, 1]} : vector<128x512xf32> to vector<8x512xf32>
    %slice3A_69 = vector.extract_strided_slice %min3A_19 {offsets = [8, 0], sizes = [8, 512], strides = [1, 1]} : vector<128x512xf32> to vector<8x512xf32>
    %slice3A_70 = vector.extract_strided_slice %transpose3A_13 {offsets = [8, 0], sizes = [8, 512], strides = [1, 1]} : vector<128x512xf32> to vector<8x512xf32>
    %slice3A_71 = vector.extract_strided_slice %min3A_16 {offsets = [8, 0], sizes = [8, 512], strides = [1, 1]} : vector<128x512xf32> to vector<8x512xf32>
    %slice3A_72 = vector.extract_strided_slice %min3A_17 {offsets = [8, 0], sizes = [8, 512], strides = [1, 1]} : vector<128x512xf32> to vector<8x512xf32>
    %slice3A_73 = vector.extract_strided_slice %min3A_20 {offsets = [8, 0], sizes = [8, 512], strides = [1, 1]} : vector<128x512xf32> to vector<8x512xf32>
    %slice3A_74 = vector.extract_strided_slice %min3A_18 {offsets = [8, 0], sizes = [8, 512], strides = [1, 1]} : vector<128x512xf32> to vector<8x512xf32>
    %slice3A_75 = vector.extract_strided_slice %min3A_21 {offsets = [8, 0], sizes = [8, 512], strides = [1, 1]} : vector<128x512xf32> to vector<8x512xf32>
    %slice3A_76 = vector.extract_strided_slice %min3A_22 {offsets = [8, 0], sizes = [8, 512], strides = [1, 1]} : vector<128x512xf32> to vector<8x512xf32>
    %slice3A_77 = vector.extract_strided_slice %min3A_23 {offsets = [8, 0], sizes = [8, 512], strides = [1, 1]} : vector<128x512xf32> to vector<8x512xf32>
    %concatenate3A_78 = tpu.concatenate %slice3A_62, %slice3A_63, %slice3A_64, %slice3A_65, %slice3A_66, %slice3A_67, %slice3A_68, %slice3A_69, %slice3A_70, %slice3A_71, %slice3A_72, %slice3A_73, %slice3A_74, %slice3A_75, %slice3A_76, %slice3A_77 in 0 : vector<8x512xf32>, vector<8x512xf32>, vector<8x512xf32>, vector<8x512xf32>, vector<8x512xf32>, vector<8x512xf32>, vector<8x512xf32>, vector<8x512xf32>, vector<8x512xf32>, vector<8x512xf32>, vector<8x512xf32>, vector<8x512xf32>, vector<8x512xf32>, vector<8x512xf32>, vector<8x512xf32>, vector<8x512xf32> -> vector<128x512xf32>
    %bitcast_convert_type3A_79 = tpu.bitcast %concatenate3A_78 : vector<128x512xf32> -> vector<128x512xi32>
    %and3A_80 = arith.constant -65536 : i32
    %and3A_81 = vector.broadcast %and3A_80 : i32 to vector<128x512xi32>
    %and3A_82 = arith.andi %bitcast_convert_type3A_79, %and3A_81 : vector<128x512xi32>
    %bitcast_convert_type3A_83 = tpu.bitcast %and3A_82 : vector<128x512xi32> -> vector<128x512xf32>
    %sub3A_84 = arith.subf %concatenate3A_78, %bitcast_convert_type3A_83 : vector<128x512xf32>
    %get3A_85 = arith.constant 1 : index
    %get3A_86 = arith.constant 0 : index
    %get3A_87 = arith.constant 0 : index
    %get3A_88 = vector.load %arg5[%get3A_85, %get3A_86, %get3A_87] : memref<16x128x256xf32, #tpu.memory_space<vmem>>, vector<1x128x256xf32>
    %get3A_89 = vector.shape_cast %get3A_88 : vector<1x128x256xf32> to vector<128x256xf32>
    %get3A_90 = arith.constant 1 : index
    %get3A_91 = arith.constant 0 : index
    %get3A_92 = arith.constant 0 : index
    %get3A_93 = vector.load %arg6[%get3A_90, %get3A_91, %get3A_92] : memref<16x128x256xf32, #tpu.memory_space<vmem>>, vector<1x128x256xf32>
    %get3A_94 = vector.shape_cast %get3A_93 : vector<1x128x256xf32> to vector<128x256xf32>
    %dot_general3A_95 = arith.constant dense<0.000000e+00> : vector<512x256xf32>
    %dot_general3A_96 = tpu.matmul %bitcast_convert_type3A_83, %get3A_89, %dot_general3A_95 {dimension_numbers = #tpu.dot_dimension_numbers<[0], [0], [1], [1], [0, 1, 1, 1], [], []>, transpose_lhs_hint = false} : vector<128x512xf32>, vector<128x256xf32>, vector<512x256xf32> -> vector<512x256xf32>
    %dot_general3A_97 = arith.constant dense<0.000000e+00> : vector<512x256xf32>
    %dot_general3A_98 = tpu.matmul %sub3A_84, %get3A_89, %dot_general3A_97 {dimension_numbers = #tpu.dot_dimension_numbers<[0], [0], [1], [1], [0, 1, 1, 1], [], []>, transpose_lhs_hint = false} : vector<128x512xf32>, vector<128x256xf32>, vector<512x256xf32> -> vector<512x256xf32>
    %add3A_99 = arith.addf %dot_general3A_96, %dot_general3A_98 : vector<512x256xf32>
    %dot_general3A_100 = arith.constant dense<0.000000e+00> : vector<512x256xf32>
    %dot_general3A_101 = tpu.matmul %bitcast_convert_type3A_83, %get3A_94, %dot_general3A_100 {dimension_numbers = #tpu.dot_dimension_numbers<[0], [0], [1], [1], [0, 1, 1, 1], [], []>, transpose_lhs_hint = false} : vector<128x512xf32>, vector<128x256xf32>, vector<512x256xf32> -> vector<512x256xf32>
    %add3A_102 = arith.addf %add3A_99, %dot_general3A_101 : vector<512x256xf32>
    %swap3A_103 = arith.constant 0 : index
    %swap3A_104 = arith.constant 256 : index
    %swap3A_105 = vector.load %arg7[%swap3A_103, %swap3A_104] : memref<512x4096xf32, #tpu.memory_space<vmem>>, vector<512x256xf32>
    tpu.vector_store %arg7[%swap3A_103, %swap3A_104], %add3A_102 {strides = array<i32>} : memref<512x4096xf32, #tpu.memory_space<vmem>>, vector<512x256xf32>,
    %slice3A_106 = vector.extract_strided_slice %max3A_25 {offsets = [16, 0], sizes = [8, 512], strides = [1, 1]} : vector<128x512xf32> to vector<8x512xf32>
    %slice3A_107 = vector.extract_strided_slice %transpose3A {offsets = [16, 0], sizes = [8, 512], strides = [1, 1]} : vector<128x512xf32> to vector<8x512xf32>
    %slice3A_108 = vector.extract_strided_slice %transpose3A_5 {offsets = [16, 0], sizes = [8, 512], strides = [1, 1]} : vector<128x512xf32> to vector<8x512xf32>
    %slice3A_109 = vector.extract_strided_slice %min3A {offsets = [16, 0], sizes = [8, 512], strides = [1, 1]} : vector<128x512xf32> to vector<8x512xf32>
    %slice3A_110 = vector.extract_strided_slice %transpose3A_9 {offsets = [16, 0], sizes = [8, 512], strides = [1, 1]} : vector<128x512xf32> to vector<8x512xf32>
    %slice3A_111 = vector.extract_strided_slice %min3A_14 {offsets = [16, 0], sizes = [8, 512], strides = [1, 1]} : vector<128x512xf32> to vector<8x512xf32>
    %slice3A_112 = vector.extract_strided_slice %min3A_15 {offsets = [16, 0], sizes = [8, 512], strides = [1, 1]} : vector<128x512xf32> to vector<8x512xf32>
    %slice3A_113 = vector.extract_strided_slice %min3A_19 {offsets = [16, 0], sizes = [8, 512], strides = [1, 1]} : vector<128x512xf32> to vector<8x512xf32>
    %slice3A_114 = vector.extract_strided_slice %transpose3A_13 {offsets = [16, 0], sizes = [8, 512], strides = [1, 1]} : vector<128x512xf32> to vector<8x512xf32>
    %slice3A_115 = vector.extract_strided_slice %min3A_16 {offsets = [16, 0], sizes = [8, 512], strides = [1, 1]} : vector<128x512xf32> to vector<8x512xf32>
    %slice3A_116 = vector.extract_strided_slice %min3A_17 {offsets = [16, 0], sizes = [8, 512], strides = [1, 1]} : vector<128x512xf32> to vector<8x512xf32>
    %slice3A_117 = vector.extract_strided_slice %min3A_20 {offsets = [16, 0], sizes = [8, 512], strides = [1, 1]} : vector<128x512xf32> to vector<8x512xf32>
    %slice3A_118 = vector.extract_strided_slice %min3A_18 {offsets = [16, 0], sizes = [8, 512], strides = [1, 1]} : vector<128x512xf32> to vector<8x512xf32>
    %slice3A_119 = vector.extract_strided_slice %min3A_21 {offsets = [16, 0], sizes = [8, 512], strides = [1, 1]} : vector<128x512xf32> to vector<8x512xf32>
    %slice3A_120 = vector.extract_strided_slice %min3A_22 {offsets = [16, 0], sizes = [8, 512], strides = [1, 1]} : vector<128x512xf32> to vector<8x512xf32>
    %slice3A_121 = vector.extract_strided_slice %min3A_23 {offsets = [16, 0], sizes = [8, 512], strides = [1, 1]} : vector<128x512xf32> to vector<8x512xf32>
    %concatenate3A_122 = tpu.concatenate %slice3A_106, %slice3A_107, %slice3A_108, %slice3A_109, %slice3A_110, %slice3A_111, %slice3A_112, %slice3A_113, %slice3A_114, %slice3A_115, %slice3A_116, %slice3A_117, %slice3A_118, %slice3A_119, %slice3A_120, %slice3A_121 in 0 : vector<8x512xf32>, vector<8x512xf32>, vector<8x512xf32>, vector<8x512xf32>, vector<8x512xf32>, vector<8x512xf32>, vector<8x512xf32>, vector<8x512xf32>, vector<8x512xf32>, vector<8x512xf32>, vector<8x512xf32>, vector<8x512xf32>, vector<8x512xf32>, vector<8x512xf32>, vector<8x512xf32>, vector<8x512xf32> -> vector<128x512xf32>
    %bitcast_convert_type3A_123 = tpu.bitcast %concatenate3A_122 : vector<128x512xf32> -> vector<128x512xi32>
    %and3A_124 = arith.constant -65536 : i32
    %and3A_125 = vector.broadcast %and3A_124 : i32 to vector<128x512xi32>
    %and3A_126 = arith.andi %bitcast_convert_type3A_123, %and3A_125 : vector<128x512xi32>
    %bitcast_convert_type3A_127 = tpu.bitcast %and3A_126 : vector<128x512xi32> -> vector<128x512xf32>
    %sub3A_128 = arith.subf %concatenate3A_122, %bitcast_convert_type3A_127 : vector<128x512xf32>
    %get3A_129 = arith.constant 2 : index
    %get3A_130 = arith.constant 0 : index
    %get3A_131 = arith.constant 0 : index
    %get3A_132 = vector.load %arg5[%get3A_129, %get3A_130, %get3A_131] : memref<16x128x256xf32, #tpu.memory_space<vmem>>, vector<1x128x256xf32>
    %get3A_133 = vector.shape_cast %get3A_132 : vector<1x128x256xf32> to vector<128x256xf32>
    %get3A_134 = arith.constant 2 : index
    %get3A_135 = arith.constant 0 : index
    %get3A_136 = arith.constant 0 : index
    %get3A_137 = vector.load %arg6[%get3A_134, %get3A_135, %get3A_136] : memref<16x128x256xf32, #tpu.memory_space<vmem>>, vector<1x128x256xf32>
    %get3A_138 = vector.shape_cast %get3A_137 : vector<1x128x256xf32> to vector<128x256xf32>
    %dot_general3A_139 = arith.constant dense<0.000000e+00> : vector<512x256xf32>
    %dot_general3A_140 = tpu.matmul %bitcast_convert_type3A_127, %get3A_133, %dot_general3A_139 {dimension_numbers = #tpu.dot_dimension_numbers<[0], [0], [1], [1], [0, 1, 1, 1], [], []>, transpose_lhs_hint = false} : vector<128x512xf32>, vector<128x256xf32>, vector<512x256xf32> -> vector<512x256xf32>
    %dot_general3A_141 = arith.constant dense<0.000000e+00> : vector<512x256xf32>
    %dot_general3A_142 = tpu.matmul %sub3A_128, %get3A_133, %dot_general3A_141 {dimension_numbers = #tpu.dot_dimension_numbers<[0], [0], [1], [1], [0, 1, 1, 1], [], []>, transpose_lhs_hint = false} : vector<128x512xf32>, vector<128x256xf32>, vector<512x256xf32> -> vector<512x256xf32>
    %add3A_143 = arith.addf %dot_general3A_140, %dot_general3A_142 : vector<512x256xf32>
    %dot_general3A_144 = arith.constant dense<0.000000e+00> : vector<512x256xf32>
    %dot_general3A_145 = tpu.matmul %bitcast_convert_type3A_127, %get3A_138, %dot_general3A_144 {dimension_numbers = #tpu.dot_dimension_numbers<[0], [0], [1], [1], [0, 1, 1, 1], [], []>, transpose_lhs_hint = false} : vector<128x512xf32>, vector<128x256xf32>, vector<512x256xf32> -> vector<512x256xf32>
    %add3A_146 = arith.addf %add3A_143, %dot_general3A_145 : vector<512x256xf32>
    %swap3A_147 = arith.constant 0 : index
    %swap3A_148 = arith.constant 512 : index
    %swap3A_149 = vector.load %arg7[%swap3A_147, %swap3A_148] : memref<512x4096xf32, #tpu.memory_space<vmem>>, vector<512x256xf32>
    tpu.vector_store %arg7[%swap3A_147, %swap3A_148], %add3A_146 {strides = array<i32>} : memref<512x4096xf32, #tpu.memory_space<vmem>>, vector<512x256xf32>,
    %slice3A_150 = vector.extract_strided_slice %max3A_25 {offsets = [24, 0], sizes = [8, 512], strides = [1, 1]} : vector<128x512xf32> to vector<8x512xf32>
    %slice3A_151 = vector.extract_strided_slice %transpose3A {offsets = [24, 0], sizes = [8, 512], strides = [1, 1]} : vector<128x512xf32> to vector<8x512xf32>
    %slice3A_152 = vector.extract_strided_slice %transpose3A_5 {offsets = [24, 0], sizes = [8, 512], strides = [1, 1]} : vector<128x512xf32> to vector<8x512xf32>
    %slice3A_153 = vector.extract_strided_slice %min3A {offsets = [24, 0], sizes = [8, 512], strides = [1, 1]} : vector<128x512xf32> to vector<8x512xf32>
    %slice3A_154 = vector.extract_strided_slice %transpose3A_9 {offsets = [24, 0], sizes = [8, 512], strides = [1, 1]} : vector<128x512xf32> to vector<8x512xf32>
    %slice3A_155 = vector.extract_strided_slice %min3A_14 {offsets = [24, 0], sizes = [8, 512], strides = [1, 1]} : vector<128x512xf32> to vector<8x512xf32>
    %slice3A_156 = vector.extract_strided_slice %min3A_15 {offsets = [24, 0], sizes = [8, 512], strides = [1, 1]} : vector<128x512xf32> to vector<8x512xf32>
    %slice3A_157 = vector.extract_strided_slice %min3A_19 {offsets = [24, 0], sizes = [8, 512], strides = [1, 1]} : vector<128x512xf32> to vector<8x512xf32>
    %slice3A_158 = vector.extract_strided_slice %transpose3A_13 {offsets = [24, 0], sizes = [8, 512], strides = [1, 1]} : vector<128x512xf32> to vector<8x512xf32>
    %slice3A_159 = vector.extract_strided_slice %min3A_16 {offsets = [24, 0], sizes = [8, 512], strides = [1, 1]} : vector<128x512xf32> to vector<8x512xf32>
    %slice3A_160 = vector.extract_strided_slice %min3A_17 {offsets = [24, 0], sizes = [8, 512], strides = [1, 1]} : vector<128x512xf32> to vector<8x512xf32>
    %slice3A_161 = vector.extract_strided_slice %min3A_20 {offsets = [24, 0], sizes = [8, 512], strides = [1, 1]} : vector<128x512xf32> to vector<8x512xf32>
    %slice3A_162 = vector.extract_strided_slice %min3A_18 {offsets = [24, 0], sizes = [8, 512], strides = [1, 1]} : vector<128x512xf32> to vector<8x512xf32>
    %slice3A_163 = vector.extract_strided_slice %min3A_21 {offsets = [24, 0], sizes = [8, 512], strides = [1, 1]} : vector<128x512xf32> to vector<8x512xf32>
    %slice3A_164 = vector.extract_strided_slice %min3A_22 {offsets = [24, 0], sizes = [8, 512], strides = [1, 1]} : vector<128x512xf32> to vector<8x512xf32>
    %slice3A_165 = vector.extract_strided_slice %min3A_23 {offsets = [24, 0], sizes = [8, 512], strides = [1, 1]} : vector<128x512xf32> to vector<8x512xf32>
    %concatenate3A_166 = tpu.concatenate %slice3A_150, %slice3A_151, %slice3A_152, %slice3A_153, %slice3A_154, %slice3A_155, %slice3A_156, %slice3A_157, %slice3A_158, %slice3A_159, %slice3A_160, %slice3A_161, %slice3A_162, %slice3A_163, %slice3A_164, %slice3A_165 in 0 : vector<8x512xf32>, vector<8x512xf32>, vector<8x512xf32>, vector<8x512xf32>, vector<8x512xf32>, vector<8x512xf32>, vector<8x512xf32>, vector<8x512xf32>, vector<8x512xf32>, vector<8x512xf32>, vector<8x512xf32>, vector<8x512xf32>, vector<8x512xf32>, vector<8x512xf32>, vector<8x512xf32>, vector<8x512xf32> -> vector<128x512xf32>
    %bitcast_convert_type3A_167 = tpu.bitcast %concatenate3A_166 : vector<128x512xf32> -> vector<128x512xi32>
    %and3A_168 = arith.constant -65536 : i32
    %and3A_169 = vector.broadcast %and3A_168 : i32 to vector<128x512xi32>
    %and3A_170 = arith.andi %bitcast_convert_type3A_167, %and3A_169 : vector<128x512xi32>
    %bitcast_convert_type3A_171 = tpu.bitcast %and3A_170 : vector<128x512xi32> -> vector<128x512xf32>
    %sub3A_172 = arith.subf %concatenate3A_166, %bitcast_convert_type3A_171 : vector<128x512xf32>
    %get3A_173 = arith.constant 3 : index
    %get3A_174 = arith.constant 0 : index
    %get3A_175 = arith.constant 0 : index
    %get3A_176 = vector.load %arg5[%get3A_173, %get3A_174, %get3A_175] : memref<16x128x256xf32, #tpu.memory_space<vmem>>, vector<1x128x256xf32>
    %get3A_177 = vector.shape_cast %get3A_176 : vector<1x128x256xf32> to vector<128x256xf32>
    %get3A_178 = arith.constant 3 : index
    %get3A_179 = arith.constant 0 : index
    %get3A_180 = arith.constant 0 : index
    %get3A_181 = vector.load %arg6[%get3A_178, %get3A_179, %get3A_180] : memref<16x128x256xf32, #tpu.memory_space<vmem>>, vector<1x128x256xf32>
    %get3A_182 = vector.shape_cast %get3A_181 : vector<1x128x256xf32> to vector<128x256xf32>
    %dot_general3A_183 = arith.constant dense<0.000000e+00> : vector<512x256xf32>
    %dot_general3A_184 = tpu.matmul %bitcast_convert_type3A_171, %get3A_177, %dot_general3A_183 {dimension_numbers = #tpu.dot_dimension_numbers<[0], [0], [1], [1], [0, 1, 1, 1], [], []>, transpose_lhs_hint = false} : vector<128x512xf32>, vector<128x256xf32>, vector<512x256xf32> -> vector<512x256xf32>
    %dot_general3A_185 = arith.constant dense<0.000000e+00> : vector<512x256xf32>
    %dot_general3A_186 = tpu.matmul %sub3A_172, %get3A_177, %dot_general3A_185 {dimension_numbers = #tpu.dot_dimension_numbers<[0], [0], [1], [1], [0, 1, 1, 1], [], []>, transpose_lhs_hint = false} : vector<128x512xf32>, vector<128x256xf32>, vector<512x256xf32> -> vector<512x256xf32>
    %add3A_187 = arith.addf %dot_general3A_184, %dot_general3A_186 : vector<512x256xf32>
    %dot_general3A_188 = arith.constant dense<0.000000e+00> : vector<512x256xf32>
    %dot_general3A_189 = tpu.matmul %bitcast_convert_type3A_171, %get3A_182, %dot_general3A_188 {dimension_numbers = #tpu.dot_dimension_numbers<[0], [0], [1], [1], [0, 1, 1, 1], [], []>, transpose_lhs_hint = false} : vector<128x512xf32>, vector<128x256xf32>, vector<512x256xf32> -> vector<512x256xf32>
    %add3A_190 = arith.addf %add3A_187, %dot_general3A_189 : vector<512x256xf32>
    %swap3A_191 = arith.constant 0 : index
    %swap3A_192 = arith.constant 768 : index
    %swap3A_193 = vector.load %arg7[%swap3A_191, %swap3A_192] : memref<512x4096xf32, #tpu.memory_space<vmem>>, vector<512x256xf32>
    tpu.vector_store %arg7[%swap3A_191, %swap3A_192], %add3A_190 {strides = array<i32>} : memref<512x4096xf32, #tpu.memory_space<vmem>>, vector<512x256xf32>,
    %slice3A_194 = vector.extract_strided_slice %max3A_25 {offsets = [32, 0], sizes = [8, 512], strides = [1, 1]} : vector<128x512xf32> to vector<8x512xf32>
    %slice3A_195 = vector.extract_strided_slice %transpose3A {offsets = [32, 0], sizes = [8, 512], strides = [1, 1]} : vector<128x512xf32> to vector<8x512xf32>
    %slice3A_196 = vector.extract_strided_slice %transpose3A_5 {offsets = [32, 0], sizes = [8, 512], strides = [1, 1]} : vector<128x512xf32> to vector<8x512xf32>
    %slice3A_197 = vector.extract_strided_slice %min3A {offsets = [32, 0], sizes = [8, 512], strides = [1, 1]} : vector<128x512xf32> to vector<8x512xf32>
    %slice3A_198 = vector.extract_strided_slice %transpose3A_9 {offsets = [32, 0], sizes = [8, 512], strides = [1, 1]} : vector<128x512xf32> to vector<8x512xf32>
    %slice3A_199 = vector.extract_strided_slice %min3A_14 {offsets = [32, 0], sizes = [8, 512], strides = [1, 1]} : vector<128x512xf32> to vector<8x512xf32>
    %slice3A_200 = vector.extract_strided_slice %min3A_15 {offsets = [32, 0], sizes = [8, 512], strides = [1, 1]} : vector<128x512xf32> to vector<8x512xf32>
    %slice3A_201 = vector.extract_strided_slice %min3A_19 {offsets = [32, 0], sizes = [8, 512], strides = [1, 1]} : vector<128x512xf32> to vector<8x512xf32>
    %slice3A_202 = vector.extract_strided_slice %transpose3A_13 {offsets = [32, 0], sizes = [8, 512], strides = [1, 1]} : vector<128x512xf32> to vector<8x512xf32>
    %slice3A_203 = vector.extract_strided_slice %min3A_16 {offsets = [32, 0], sizes = [8, 512], strides = [1, 1]} : vector<128x512xf32> to vector<8x512xf32>
    %slice3A_204 = vector.extract_strided_slice %min3A_17 {offsets = [32, 0], sizes = [8, 512], strides = [1, 1]} : vector<128x512xf32> to vector<8x512xf32>
    %slice3A_205 = vector.extract_strided_slice %min3A_20 {offsets = [32, 0], sizes = [8, 512], strides = [1, 1]} : vector<128x512xf32> to vector<8x512xf32>
    %slice3A_206 = vector.extract_strided_slice %min3A_18 {offsets = [32, 0], sizes = [8, 512], strides = [1, 1]} : vector<128x512xf32> to vector<8x512xf32>
    %slice3A_207 = vector.extract_strided_slice %min3A_21 {offsets = [32, 0], sizes = [8, 512], strides = [1, 1]} : vector<128x512xf32> to vector<8x512xf32>
    %slice3A_208 = vector.extract_strided_slice %min3A_22 {offsets = [32, 0], sizes = [8, 512], strides = [1, 1]} : vector<128x512xf32> to vector<8x512xf32>
    %slice3A_209 = vector.extract_strided_slice %min3A_23 {offsets = [32, 0], sizes = [8, 512], strides = [1, 1]} : vector<128x512xf32> to vector<8x512xf32>
    %concatenate3A_210 = tpu.concatenate %slice3A_194, %slice3A_195, %slice3A_196, %slice3A_197, %slice3A_198, %slice3A_199, %slice3A_200, %slice3A_201, %slice3A_202, %slice3A_203, %slice3A_204, %slice3A_205, %slice3A_206, %slice3A_207, %slice3A_208, %slice3A_209 in 0 : vector<8x512xf32>, vector<8x512xf32>, vector<8x512xf32>, vector<8x512xf32>, vector<8x512xf32>, vector<8x512xf32>, vector<8x512xf32>, vector<8x512xf32>, vector<8x512xf32>, vector<8x512xf32>, vector<8x512xf32>, vector<8x512xf32>, vector<8x512xf32>, vector<8x512xf32>, vector<8x512xf32>, vector<8x512xf32> -> vector<128x512xf32>
    %bitcast_convert_type3A_211 = tpu.bitcast %concatenate3A_210 : vector<128x512xf32> -> vector<128x512xi32>
    %and3A_212 = arith.constant -65536 : i32
    %and3A_213 = vector.broadcast %and3A_212 : i32 to vector<128x512xi32>
    %and3A_214 = arith.andi %bitcast_convert_type3A_211, %and3A_213 : vector<128x512xi32>
    %bitcast_convert_type3A_215 = tpu.bitcast %and3A_214 : vector<128x512xi32> -> vector<128x512xf32>
    %sub3A_216 = arith.subf %concatenate3A_210, %bitcast_convert_type3A_215 : vector<128x512xf32>
    %get3A_217 = arith.constant 4 : index
    %get3A_218 = arith.constant 0 : index
    %get3A_219 = arith.constant 0 : index
    %get3A_220 = vector.load %arg5[%get3A_217, %get3A_218, %get3A_219] : memref<16x128x256xf32, #tpu.memory_space<vmem>>, vector<1x128x256xf32>
    %get3A_221 = vector.shape_cast %get3A_220 : vector<1x128x256xf32> to vector<128x256xf32>
    %get3A_222 = arith.constant 4 : index
    %get3A_223 = arith.constant 0 : index
    %get3A_224 = arith.constant 0 : index
    %get3A_225 = vector.load %arg6[%get3A_222, %get3A_223, %get3A_224] : memref<16x128x256xf32, #tpu.memory_space<vmem>>, vector<1x128x256xf32>
    %get3A_226 = vector.shape_cast %get3A_225 : vector<1x128x256xf32> to vector<128x256xf32>
    %dot_general3A_227 = arith.constant dense<0.000000e+00> : vector<512x256xf32>
    %dot_general3A_228 = tpu.matmul %bitcast_convert_type3A_215, %get3A_221, %dot_general3A_227 {dimension_numbers = #tpu.dot_dimension_numbers<[0], [0], [1], [1], [0, 1, 1, 1], [], []>, transpose_lhs_hint = false} : vector<128x512xf32>, vector<128x256xf32>, vector<512x256xf32> -> vector<512x256xf32>
    %dot_general3A_229 = arith.constant dense<0.000000e+00> : vector<512x256xf32>
    %dot_general3A_230 = tpu.matmul %sub3A_216, %get3A_221, %dot_general3A_229 {dimension_numbers = #tpu.dot_dimension_numbers<[0], [0], [1], [1], [0, 1, 1, 1], [], []>, transpose_lhs_hint = false} : vector<128x512xf32>, vector<128x256xf32>, vector<512x256xf32> -> vector<512x256xf32>
    %add3A_231 = arith.addf %dot_general3A_228, %dot_general3A_230 : vector<512x256xf32>
    %dot_general3A_232 = arith.constant dense<0.000000e+00> : vector<512x256xf32>
    %dot_general3A_233 = tpu.matmul %bitcast_convert_type3A_215, %get3A_226, %dot_general3A_232 {dimension_numbers = #tpu.dot_dimension_numbers<[0], [0], [1], [1], [0, 1, 1, 1], [], []>, transpose_lhs_hint = false} : vector<128x512xf32>, vector<128x256xf32>, vector<512x256xf32> -> vector<512x256xf32>
    %add3A_234 = arith.addf %add3A_231, %dot_general3A_233 : vector<512x256xf32>
    %swap3A_235 = arith.constant 0 : index
    %swap3A_236 = arith.constant 1024 : index
    %swap3A_237 = vector.load %arg7[%swap3A_235, %swap3A_236] : memref<512x4096xf32, #tpu.memory_space<vmem>>, vector<512x256xf32>
    tpu.vector_store %arg7[%swap3A_235, %swap3A_236], %add3A_234 {strides = array<i32>} : memref<512x4096xf32, #tpu.memory_space<vmem>>, vector<512x256xf32>,
    %slice3A_238 = vector.extract_strided_slice %max3A_25 {offsets = [40, 0], sizes = [8, 512], strides = [1, 1]} : vector<128x512xf32> to vector<8x512xf32>
    %slice3A_239 = vector.extract_strided_slice %transpose3A {offsets = [40, 0], sizes = [8, 512], strides = [1, 1]} : vector<128x512xf32> to vector<8x512xf32>
    %slice3A_240 = vector.extract_strided_slice %transpose3A_5 {offsets = [40, 0], sizes = [8, 512], strides = [1, 1]} : vector<128x512xf32> to vector<8x512xf32>
    %slice3A_241 = vector.extract_strided_slice %min3A {offsets = [40, 0], sizes = [8, 512], strides = [1, 1]} : vector<128x512xf32> to vector<8x512xf32>
    %slice3A_242 = vector.extract_strided_slice %transpose3A_9 {offsets = [40, 0], sizes = [8, 512], strides = [1, 1]} : vector<128x512xf32> to vector<8x512xf32>
    %slice3A_243 = vector.extract_strided_slice %min3A_14 {offsets = [40, 0], sizes = [8, 512], strides = [1, 1]} : vector<128x512xf32> to vector<8x512xf32>
    %slice3A_244 = vector.extract_strided_slice %min3A_15 {offsets = [40, 0], sizes = [8, 512], strides = [1, 1]} : vector<128x512xf32> to vector<8x512xf32>
    %slice3A_245 = vector.extract_strided_slice %min3A_19 {offsets = [40, 0], sizes = [8, 512], strides = [1, 1]} : vector<128x512xf32> to vector<8x512xf32>
    %slice3A_246 = vector.extract_strided_slice %transpose3A_13 {offsets = [40, 0], sizes = [8, 512], strides = [1, 1]} : vector<128x512xf32> to vector<8x512xf32>
    %slice3A_247 = vector.extract_strided_slice %min3A_16 {offsets = [40, 0], sizes = [8, 512], strides = [1, 1]} : vector<128x512xf32> to vector<8x512xf32>
    %slice3A_248 = vector.extract_strided_slice %min3A_17 {offsets = [40, 0], sizes = [8, 512], strides = [1, 1]} : vector<128x512xf32> to vector<8x512xf32>
    %slice3A_249 = vector.extract_strided_slice %min3A_20 {offsets = [40, 0], sizes = [8, 512], strides = [1, 1]} : vector<128x512xf32> to vector<8x512xf32>
    %slice3A_250 = vector.extract_strided_slice %min3A_18 {offsets = [40, 0], sizes = [8, 512], strides = [1, 1]} : vector<128x512xf32> to vector<8x512xf32>
    %slice3A_251 = vector.extract_strided_slice %min3A_21 {offsets = [40, 0], sizes = [8, 512], strides = [1, 1]} : vector<128x512xf32> to vector<8x512xf32>
    %slice3A_252 = vector.extract_strided_slice %min3A_22 {offsets = [40, 0], sizes = [8, 512], strides = [1, 1]} : vector<128x512xf32> to vector<8x512xf32>
    %slice3A_253 = vector.extract_strided_slice %min3A_23 {offsets = [40, 0], sizes = [8, 512], strides = [1, 1]} : vector<128x512xf32> to vector<8x512xf32>
    %concatenate3A_254 = tpu.concatenate %slice3A_238, %slice3A_239, %slice3A_240, %slice3A_241, %slice3A_242, %slice3A_243, %slice3A_244, %slice3A_245, %slice3A_246, %slice3A_247, %slice3A_248, %slice3A_249, %slice3A_250, %slice3A_251, %slice3A_252, %slice3A_253 in 0 : vector<8x512xf32>, vector<8x512xf32>, vector<8x512xf32>, vector<8x512xf32>, vector<8x512xf32>, vector<8x512xf32>, vector<8x512xf32>, vector<8x512xf32>, vector<8x512xf32>, vector<8x512xf32>, vector<8x512xf32>, vector<8x512xf32>, vector<8x512xf32>, vector<8x512xf32>, vector<8x512xf32>, vector<8x512xf32> -> vector<128x512xf32>
    %bitcast_convert_type3A_255 = tpu.bitcast %concatenate3A_254 : vector<128x512xf32> -> vector<128x512xi32>
    %and3A_256 = arith.constant -65536 : i32
    %and3A_257 = vector.broadcast %and3A_256 : i32 to vector<128x512xi32>
    %and3A_258 = arith.andi %bitcast_convert_type3A_255, %and3A_257 : vector<128x512xi32>
    %bitcast_convert_type3A_259 = tpu.bitcast %and3A_258 : vector<128x512xi32> -> vector<128x512xf32>
    %sub3A_260 = arith.subf %concatenate3A_254, %bitcast_convert_type3A_259 : vector<128x512xf32>
    %get3A_261 = arith.constant 5 : index
    %get3A_262 = arith.constant 0 : index
    %get3A_263 = arith.constant 0 : index
    %get3A_264 = vector.load %arg5[%get3A_261, %get3A_262, %get3A_263] : memref<16x128x256xf32, #tpu.memory_space<vmem>>, vector<1x128x256xf32>
    %get3A_265 = vector.shape_cast %get3A_264 : vector<1x128x256xf32> to vector<128x256xf32>
    %get3A_266 = arith.constant 5 : index
    %get3A_267 = arith.constant 0 : index
    %get3A_268 = arith.constant 0 : index
    %get3A_269 = vector.load %arg6[%get3A_266, %get3A_267, %get3A_268] : memref<16x128x256xf32, #tpu.memory_space<vmem>>, vector<1x128x256xf32>
    %get3A_270 = vector.shape_cast %get3A_269 : vector<1x128x256xf32> to vector<128x256xf32>
    %dot_general3A_271 = arith.constant dense<0.000000e+00> : vector<512x256xf32>
    %dot_general3A_272 = tpu.matmul %bitcast_convert_type3A_259, %get3A_265, %dot_general3A_271 {dimension_numbers = #tpu.dot_dimension_numbers<[0], [0], [1], [1], [0, 1, 1, 1], [], []>, transpose_lhs_hint = false} : vector<128x512xf32>, vector<128x256xf32>, vector<512x256xf32> -> vector<512x256xf32>
    %dot_general3A_273 = arith.constant dense<0.000000e+00> : vector<512x256xf32>
    %dot_general3A_274 = tpu.matmul %sub3A_260, %get3A_265, %dot_general3A_273 {dimension_numbers = #tpu.dot_dimension_numbers<[0], [0], [1], [1], [0, 1, 1, 1], [], []>, transpose_lhs_hint = false} : vector<128x512xf32>, vector<128x256xf32>, vector<512x256xf32> -> vector<512x256xf32>
    %add3A_275 = arith.addf %dot_general3A_272, %dot_general3A_274 : vector<512x256xf32>
    %dot_general3A_276 = arith.constant dense<0.000000e+00> : vector<512x256xf32>
    %dot_general3A_277 = tpu.matmul %bitcast_convert_type3A_259, %get3A_270, %dot_general3A_276 {dimension_numbers = #tpu.dot_dimension_numbers<[0], [0], [1], [1], [0, 1, 1, 1], [], []>, transpose_lhs_hint = false} : vector<128x512xf32>, vector<128x256xf32>, vector<512x256xf32> -> vector<512x256xf32>
    %add3A_278 = arith.addf %add3A_275, %dot_general3A_277 : vector<512x256xf32>
    %swap3A_279 = arith.constant 0 : index
    %swap3A_280 = arith.constant 1280 : index
    %swap3A_281 = vector.load %arg7[%swap3A_279, %swap3A_280] : memref<512x4096xf32, #tpu.memory_space<vmem>>, vector<512x256xf32>
    tpu.vector_store %arg7[%swap3A_279, %swap3A_280], %add3A_278 {strides = array<i32>} : memref<512x4096xf32, #tpu.memory_space<vmem>>, vector<512x256xf32>,
    %slice3A_282 = vector.extract_strided_slice %max3A_25 {offsets = [48, 0], sizes = [8, 512], strides = [1, 1]} : vector<128x512xf32> to vector<8x512xf32>
    %slice3A_283 = vector.extract_strided_slice %transpose3A {offsets = [48, 0], sizes = [8, 512], strides = [1, 1]} : vector<128x512xf32> to vector<8x512xf32>
    %slice3A_284 = vector.extract_strided_slice %transpose3A_5 {offsets = [48, 0], sizes = [8, 512], strides = [1, 1]} : vector<128x512xf32> to vector<8x512xf32>
    %slice3A_285 = vector.extract_strided_slice %min3A {offsets = [48, 0], sizes = [8, 512], strides = [1, 1]} : vector<128x512xf32> to vector<8x512xf32>
    %slice3A_286 = vector.extract_strided_slice %transpose3A_9 {offsets = [48, 0], sizes = [8, 512], strides = [1, 1]} : vector<128x512xf32> to vector<8x512xf32>
    %slice3A_287 = vector.extract_strided_slice %min3A_14 {offsets = [48, 0], sizes = [8, 512], strides = [1, 1]} : vector<128x512xf32> to vector<8x512xf32>
    %slice3A_288 = vector.extract_strided_slice %min3A_15 {offsets = [48, 0], sizes = [8, 512], strides = [1, 1]} : vector<128x512xf32> to vector<8x512xf32>
    %slice3A_289 = vector.extract_strided_slice %min3A_19 {offsets = [48, 0], sizes = [8, 512], strides = [1, 1]} : vector<128x512xf32> to vector<8x512xf32>
    %slice3A_290 = vector.extract_strided_slice %transpose3A_13 {offsets = [48, 0], sizes = [8, 512], strides = [1, 1]} : vector<128x512xf32> to vector<8x512xf32>
    %slice3A_291 = vector.extract_strided_slice %min3A_16 {offsets = [48, 0], sizes = [8, 512], strides = [1, 1]} : vector<128x512xf32> to vector<8x512xf32>
    %slice3A_292 = vector.extract_strided_slice %min3A_17 {offsets = [48, 0], sizes = [8, 512], strides = [1, 1]} : vector<128x512xf32> to vector<8x512xf32>
    %slice3A_293 = vector.extract_strided_slice %min3A_20 {offsets = [48, 0], sizes = [8, 512], strides = [1, 1]} : vector<128x512xf32> to vector<8x512xf32>
    %slice3A_294 = vector.extract_strided_slice %min3A_18 {offsets = [48, 0], sizes = [8, 512], strides = [1, 1]} : vector<128x512xf32> to vector<8x512xf32>
    %slice3A_295 = vector.extract_strided_slice %min3A_21 {offsets = [48, 0], sizes = [8, 512], strides = [1, 1]} : vector<128x512xf32> to vector<8x512xf32>
    %slice3A_296 = vector.extract_strided_slice %min3A_22 {offsets = [48, 0], sizes = [8, 512], strides = [1, 1]} : vector<128x512xf32> to vector<8x512xf32>
    %slice3A_297 = vector.extract_strided_slice %min3A_23 {offsets = [48, 0], sizes = [8, 512], strides = [1, 1]} : vector<128x512xf32> to vector<8x512xf32>
    %concatenate3A_298 = tpu.concatenate %slice3A_282, %slice3A_283, %slice3A_284, %slice3A_285, %slice3A_286, %slice3A_287, %slice3A_288, %slice3A_289, %slice3A_290, %slice3A_291, %slice3A_292, %slice3A_293, %slice3A_294, %slice3A_295, %slice3A_296, %slice3A_297 in 0 : vector<8x512xf32>, vector<8x512xf32>, vector<8x512xf32>, vector<8x512xf32>, vector<8x512xf32>, vector<8x512xf32>, vector<8x512xf32>, vector<8x512xf32>, vector<8x512xf32>, vector<8x512xf32>, vector<8x512xf32>, vector<8x512xf32>, vector<8x512xf32>, vector<8x512xf32>, vector<8x512xf32>, vector<8x512xf32> -> vector<128x512xf32>
    %bitcast_convert_type3A_299 = tpu.bitcast %concatenate3A_298 : vector<128x512xf32> -> vector<128x512xi32>
    %and3A_300 = arith.constant -65536 : i32
    %and3A_301 = vector.broadcast %and3A_300 : i32 to vector<128x512xi32>
    %and3A_302 = arith.andi %bitcast_convert_type3A_299, %and3A_301 : vector<128x512xi32>
    %bitcast_convert_type3A_303 = tpu.bitcast %and3A_302 : vector<128x512xi32> -> vector<128x512xf32>
    %sub3A_304 = arith.subf %concatenate3A_298, %bitcast_convert_type3A_303 : vector<128x512xf32>
    %get3A_305 = arith.constant 6 : index
    %get3A_306 = arith.constant 0 : index
    %get3A_307 = arith.constant 0 : index
    %get3A_308 = vector.load %arg5[%get3A_305, %get3A_306, %get3A_307] : memref<16x128x256xf32, #tpu.memory_space<vmem>>, vector<1x128x256xf32>
    %get3A_309 = vector.shape_cast %get3A_308 : vector<1x128x256xf32> to vector<128x256xf32>
    %get3A_310 = arith.constant 6 : index
    %get3A_311 = arith.constant 0 : index
    %get3A_312 = arith.constant 0 : index
    %get3A_313 = vector.load %arg6[%get3A_310, %get3A_311, %get3A_312] : memref<16x128x256xf32, #tpu.memory_space<vmem>>, vector<1x128x256xf32>
    %get3A_314 = vector.shape_cast %get3A_313 : vector<1x128x256xf32> to vector<128x256xf32>
    %dot_general3A_315 = arith.constant dense<0.000000e+00> : vector<512x256xf32>
    %dot_general3A_316 = tpu.matmul %bitcast_convert_type3A_303, %get3A_309, %dot_general3A_315 {dimension_numbers = #tpu.dot_dimension_numbers<[0], [0], [1], [1], [0, 1, 1, 1], [], []>, transpose_lhs_hint = false} : vector<128x512xf32>, vector<128x256xf32>, vector<512x256xf32> -> vector<512x256xf32>
    %dot_general3A_317 = arith.constant dense<0.000000e+00> : vector<512x256xf32>
    %dot_general3A_318 = tpu.matmul %sub3A_304, %get3A_309, %dot_general3A_317 {dimension_numbers = #tpu.dot_dimension_numbers<[0], [0], [1], [1], [0, 1, 1, 1], [], []>, transpose_lhs_hint = false} : vector<128x512xf32>, vector<128x256xf32>, vector<512x256xf32> -> vector<512x256xf32>
    %add3A_319 = arith.addf %dot_general3A_316, %dot_general3A_318 : vector<512x256xf32>
    %dot_general3A_320 = arith.constant dense<0.000000e+00> : vector<512x256xf32>
    %dot_general3A_321 = tpu.matmul %bitcast_convert_type3A_303, %get3A_314, %dot_general3A_320 {dimension_numbers = #tpu.dot_dimension_numbers<[0], [0], [1], [1], [0, 1, 1, 1], [], []>, transpose_lhs_hint = false} : vector<128x512xf32>, vector<128x256xf32>, vector<512x256xf32> -> vector<512x256xf32>
    %add3A_322 = arith.addf %add3A_319, %dot_general3A_321 : vector<512x256xf32>
    %swap3A_323 = arith.constant 0 : index
    %swap3A_324 = arith.constant 1536 : index
    %swap3A_325 = vector.load %arg7[%swap3A_323, %swap3A_324] : memref<512x4096xf32, #tpu.memory_space<vmem>>, vector<512x256xf32>
    tpu.vector_store %arg7[%swap3A_323, %swap3A_324], %add3A_322 {strides = array<i32>} : memref<512x4096xf32, #tpu.memory_space<vmem>>, vector<512x256xf32>,
    %slice3A_326 = vector.extract_strided_slice %max3A_25 {offsets = [56, 0], sizes = [8, 512], strides = [1, 1]} : vector<128x512xf32> to vector<8x512xf32>
    %slice3A_327 = vector.extract_strided_slice %transpose3A {offsets = [56, 0], sizes = [8, 512], strides = [1, 1]} : vector<128x512xf32> to vector<8x512xf32>
    %slice3A_328 = vector.extract_strided_slice %transpose3A_5 {offsets = [56, 0], sizes = [8, 512], strides = [1, 1]} : vector<128x512xf32> to vector<8x512xf32>
    %slice3A_329 = vector.extract_strided_slice %min3A {offsets = [56, 0], sizes = [8, 512], strides = [1, 1]} : vector<128x512xf32> to vector<8x512xf32>
    %slice3A_330 = vector.extract_strided_slice %transpose3A_9 {offsets = [56, 0], sizes = [8, 512], strides = [1, 1]} : vector<128x512xf32> to vector<8x512xf32>
    %slice3A_331 = vector.extract_strided_slice %min3A_14 {offsets = [56, 0], sizes = [8, 512], strides = [1, 1]} : vector<128x512xf32> to vector<8x512xf32>
    %slice3A_332 = vector.extract_strided_slice %min3A_15 {offsets = [56, 0], sizes = [8, 512], strides = [1, 1]} : vector<128x512xf32> to vector<8x512xf32>
    %slice3A_333 = vector.extract_strided_slice %min3A_19 {offsets = [56, 0], sizes = [8, 512], strides = [1, 1]} : vector<128x512xf32> to vector<8x512xf32>
    %slice3A_334 = vector.extract_strided_slice %transpose3A_13 {offsets = [56, 0], sizes = [8, 512], strides = [1, 1]} : vector<128x512xf32> to vector<8x512xf32>
    %slice3A_335 = vector.extract_strided_slice %min3A_16 {offsets = [56, 0], sizes = [8, 512], strides = [1, 1]} : vector<128x512xf32> to vector<8x512xf32>
    %slice3A_336 = vector.extract_strided_slice %min3A_17 {offsets = [56, 0], sizes = [8, 512], strides = [1, 1]} : vector<128x512xf32> to vector<8x512xf32>
    %slice3A_337 = vector.extract_strided_slice %min3A_20 {offsets = [56, 0], sizes = [8, 512], strides = [1, 1]} : vector<128x512xf32> to vector<8x512xf32>
    %slice3A_338 = vector.extract_strided_slice %min3A_18 {offsets = [56, 0], sizes = [8, 512], strides = [1, 1]} : vector<128x512xf32> to vector<8x512xf32>
    %slice3A_339 = vector.extract_strided_slice %min3A_21 {offsets = [56, 0], sizes = [8, 512], strides = [1, 1]} : vector<128x512xf32> to vector<8x512xf32>
    %slice3A_340 = vector.extract_strided_slice %min3A_22 {offsets = [56, 0], sizes = [8, 512], strides = [1, 1]} : vector<128x512xf32> to vector<8x512xf32>
    %slice3A_341 = vector.extract_strided_slice %min3A_23 {offsets = [56, 0], sizes = [8, 512], strides = [1, 1]} : vector<128x512xf32> to vector<8x512xf32>
    %concatenate3A_342 = tpu.concatenate %slice3A_326, %slice3A_327, %slice3A_328, %slice3A_329, %slice3A_330, %slice3A_331, %slice3A_332, %slice3A_333, %slice3A_334, %slice3A_335, %slice3A_336, %slice3A_337, %slice3A_338, %slice3A_339, %slice3A_340, %slice3A_341 in 0 : vector<8x512xf32>, vector<8x512xf32>, vector<8x512xf32>, vector<8x512xf32>, vector<8x512xf32>, vector<8x512xf32>, vector<8x512xf32>, vector<8x512xf32>, vector<8x512xf32>, vector<8x512xf32>, vector<8x512xf32>, vector<8x512xf32>, vector<8x512xf32>, vector<8x512xf32>, vector<8x512xf32>, vector<8x512xf32> -> vector<128x512xf32>
    %bitcast_convert_type3A_343 = tpu.bitcast %concatenate3A_342 : vector<128x512xf32> -> vector<128x512xi32>
    %and3A_344 = arith.constant -65536 : i32
    %and3A_345 = vector.broadcast %and3A_344 : i32 to vector<128x512xi32>
    %and3A_346 = arith.andi %bitcast_convert_type3A_343, %and3A_345 : vector<128x512xi32>
    %bitcast_convert_type3A_347 = tpu.bitcast %and3A_346 : vector<128x512xi32> -> vector<128x512xf32>
    %sub3A_348 = arith.subf %concatenate3A_342, %bitcast_convert_type3A_347 : vector<128x512xf32>
    %get3A_349 = arith.constant 7 : index
    %get3A_350 = arith.constant 0 : index
    %get3A_351 = arith.constant 0 : index
    %get3A_352 = vector.load %arg5[%get3A_349, %get3A_350, %get3A_351] : memref<16x128x256xf32, #tpu.memory_space<vmem>>, vector<1x128x256xf32>
    %get3A_353 = vector.shape_cast %get3A_352 : vector<1x128x256xf32> to vector<128x256xf32>
    %get3A_354 = arith.constant 7 : index
    %get3A_355 = arith.constant 0 : index
    %get3A_356 = arith.constant 0 : index
    %get3A_357 = vector.load %arg6[%get3A_354, %get3A_355, %get3A_356] : memref<16x128x256xf32, #tpu.memory_space<vmem>>, vector<1x128x256xf32>
    %get3A_358 = vector.shape_cast %get3A_357 : vector<1x128x256xf32> to vector<128x256xf32>
    %dot_general3A_359 = arith.constant dense<0.000000e+00> : vector<512x256xf32>
    %dot_general3A_360 = tpu.matmul %bitcast_convert_type3A_347, %get3A_353, %dot_general3A_359 {dimension_numbers = #tpu.dot_dimension_numbers<[0], [0], [1], [1], [0, 1, 1, 1], [], []>, transpose_lhs_hint = false} : vector<128x512xf32>, vector<128x256xf32>, vector<512x256xf32> -> vector<512x256xf32>
    %dot_general3A_361 = arith.constant dense<0.000000e+00> : vector<512x256xf32>
    %dot_general3A_362 = tpu.matmul %sub3A_348, %get3A_353, %dot_general3A_361 {dimension_numbers = #tpu.dot_dimension_numbers<[0], [0], [1], [1], [0, 1, 1, 1], [], []>, transpose_lhs_hint = false} : vector<128x512xf32>, vector<128x256xf32>, vector<512x256xf32> -> vector<512x256xf32>
    %add3A_363 = arith.addf %dot_general3A_360, %dot_general3A_362 : vector<512x256xf32>
    %dot_general3A_364 = arith.constant dense<0.000000e+00> : vector<512x256xf32>
    %dot_general3A_365 = tpu.matmul %bitcast_convert_type3A_347, %get3A_358, %dot_general3A_364 {dimension_numbers = #tpu.dot_dimension_numbers<[0], [0], [1], [1], [0, 1, 1, 1], [], []>, transpose_lhs_hint = false} : vector<128x512xf32>, vector<128x256xf32>, vector<512x256xf32> -> vector<512x256xf32>
    %add3A_366 = arith.addf %add3A_363, %dot_general3A_365 : vector<512x256xf32>
    %swap3A_367 = arith.constant 0 : index
    %swap3A_368 = arith.constant 1792 : index
    %swap3A_369 = vector.load %arg7[%swap3A_367, %swap3A_368] : memref<512x4096xf32, #tpu.memory_space<vmem>>, vector<512x256xf32>
    tpu.vector_store %arg7[%swap3A_367, %swap3A_368], %add3A_366 {strides = array<i32>} : memref<512x4096xf32, #tpu.memory_space<vmem>>, vector<512x256xf32>,
    %slice3A_370 = vector.extract_strided_slice %max3A_25 {offsets = [64, 0], sizes = [8, 512], strides = [1, 1]} : vector<128x512xf32> to vector<8x512xf32>
    %slice3A_371 = vector.extract_strided_slice %transpose3A {offsets = [64, 0], sizes = [8, 512], strides = [1, 1]} : vector<128x512xf32> to vector<8x512xf32>
    %slice3A_372 = vector.extract_strided_slice %transpose3A_5 {offsets = [64, 0], sizes = [8, 512], strides = [1, 1]} : vector<128x512xf32> to vector<8x512xf32>
    %slice3A_373 = vector.extract_strided_slice %min3A {offsets = [64, 0], sizes = [8, 512], strides = [1, 1]} : vector<128x512xf32> to vector<8x512xf32>
    %slice3A_374 = vector.extract_strided_slice %transpose3A_9 {offsets = [64, 0], sizes = [8, 512], strides = [1, 1]} : vector<128x512xf32> to vector<8x512xf32>
    %slice3A_375 = vector.extract_strided_slice %min3A_14 {offsets = [64, 0], sizes = [8, 512], strides = [1, 1]} : vector<128x512xf32> to vector<8x512xf32>
    %slice3A_376 = vector.extract_strided_slice %min3A_15 {offsets = [64, 0], sizes = [8, 512], strides = [1, 1]} : vector<128x512xf32> to vector<8x512xf32>
    %slice3A_377 = vector.extract_strided_slice %min3A_19 {offsets = [64, 0], sizes = [8, 512], strides = [1, 1]} : vector<128x512xf32> to vector<8x512xf32>
    %slice3A_378 = vector.extract_strided_slice %transpose3A_13 {offsets = [64, 0], sizes = [8, 512], strides = [1, 1]} : vector<128x512xf32> to vector<8x512xf32>
    %slice3A_379 = vector.extract_strided_slice %min3A_16 {offsets = [64, 0], sizes = [8, 512], strides = [1, 1]} : vector<128x512xf32> to vector<8x512xf32>
    %slice3A_380 = vector.extract_strided_slice %min3A_17 {offsets = [64, 0], sizes = [8, 512], strides = [1, 1]} : vector<128x512xf32> to vector<8x512xf32>
    %slice3A_381 = vector.extract_strided_slice %min3A_20 {offsets = [64, 0], sizes = [8, 512], strides = [1, 1]} : vector<128x512xf32> to vector<8x512xf32>
    %slice3A_382 = vector.extract_strided_slice %min3A_18 {offsets = [64, 0], sizes = [8, 512], strides = [1, 1]} : vector<128x512xf32> to vector<8x512xf32>
    %slice3A_383 = vector.extract_strided_slice %min3A_21 {offsets = [64, 0], sizes = [8, 512], strides = [1, 1]} : vector<128x512xf32> to vector<8x512xf32>
    %slice3A_384 = vector.extract_strided_slice %min3A_22 {offsets = [64, 0], sizes = [8, 512], strides = [1, 1]} : vector<128x512xf32> to vector<8x512xf32>
    %slice3A_385 = vector.extract_strided_slice %min3A_23 {offsets = [64, 0], sizes = [8, 512], strides = [1, 1]} : vector<128x512xf32> to vector<8x512xf32>
    %concatenate3A_386 = tpu.concatenate %slice3A_370, %slice3A_371, %slice3A_372, %slice3A_373, %slice3A_374, %slice3A_375, %slice3A_376, %slice3A_377, %slice3A_378, %slice3A_379, %slice3A_380, %slice3A_381, %slice3A_382, %slice3A_383, %slice3A_384, %slice3A_385 in 0 : vector<8x512xf32>, vector<8x512xf32>, vector<8x512xf32>, vector<8x512xf32>, vector<8x512xf32>, vector<8x512xf32>, vector<8x512xf32>, vector<8x512xf32>, vector<8x512xf32>, vector<8x512xf32>, vector<8x512xf32>, vector<8x512xf32>, vector<8x512xf32>, vector<8x512xf32>, vector<8x512xf32>, vector<8x512xf32> -> vector<128x512xf32>
    %bitcast_convert_type3A_387 = tpu.bitcast %concatenate3A_386 : vector<128x512xf32> -> vector<128x512xi32>
    %and3A_388 = arith.constant -65536 : i32
    %and3A_389 = vector.broadcast %and3A_388 : i32 to vector<128x512xi32>
    %and3A_390 = arith.andi %bitcast_convert_type3A_387, %and3A_389 : vector<128x512xi32>
    %bitcast_convert_type3A_391 = tpu.bitcast %and3A_390 : vector<128x512xi32> -> vector<128x512xf32>
    %sub3A_392 = arith.subf %concatenate3A_386, %bitcast_convert_type3A_391 : vector<128x512xf32>
    %get3A_393 = arith.constant 8 : index
    %get3A_394 = arith.constant 0 : index
    %get3A_395 = arith.constant 0 : index
    %get3A_396 = vector.load %arg5[%get3A_393, %get3A_394, %get3A_395] : memref<16x128x256xf32, #tpu.memory_space<vmem>>, vector<1x128x256xf32>
    %get3A_397 = vector.shape_cast %get3A_396 : vector<1x128x256xf32> to vector<128x256xf32>
    %get3A_398 = arith.constant 8 : index
    %get3A_399 = arith.constant 0 : index
    %get3A_400 = arith.constant 0 : index
    %get3A_401 = vector.load %arg6[%get3A_398, %get3A_399, %get3A_400] : memref<16x128x256xf32, #tpu.memory_space<vmem>>, vector<1x128x256xf32>
    %get3A_402 = vector.shape_cast %get3A_401 : vector<1x128x256xf32> to vector<128x256xf32>
    %dot_general3A_403 = arith.constant dense<0.000000e+00> : vector<512x256xf32>
    %dot_general3A_404 = tpu.matmul %bitcast_convert_type3A_391, %get3A_397, %dot_general3A_403 {dimension_numbers = #tpu.dot_dimension_numbers<[0], [0], [1], [1], [0, 1, 1, 1], [], []>, transpose_lhs_hint = false} : vector<128x512xf32>, vector<128x256xf32>, vector<512x256xf32> -> vector<512x256xf32>
    %dot_general3A_405 = arith.constant dense<0.000000e+00> : vector<512x256xf32>
    %dot_general3A_406 = tpu.matmul %sub3A_392, %get3A_397, %dot_general3A_405 {dimension_numbers = #tpu.dot_dimension_numbers<[0], [0], [1], [1], [0, 1, 1, 1], [], []>, transpose_lhs_hint = false} : vector<128x512xf32>, vector<128x256xf32>, vector<512x256xf32> -> vector<512x256xf32>
    %add3A_407 = arith.addf %dot_general3A_404, %dot_general3A_406 : vector<512x256xf32>
    %dot_general3A_408 = arith.constant dense<0.000000e+00> : vector<512x256xf32>
    %dot_general3A_409 = tpu.matmul %bitcast_convert_type3A_391, %get3A_402, %dot_general3A_408 {dimension_numbers = #tpu.dot_dimension_numbers<[0], [0], [1], [1], [0, 1, 1, 1], [], []>, transpose_lhs_hint = false} : vector<128x512xf32>, vector<128x256xf32>, vector<512x256xf32> -> vector<512x256xf32>
    %add3A_410 = arith.addf %add3A_407, %dot_general3A_409 : vector<512x256xf32>
    %swap3A_411 = arith.constant 0 : index
    %swap3A_412 = arith.constant 2048 : index
    %swap3A_413 = vector.load %arg7[%swap3A_411, %swap3A_412] : memref<512x4096xf32, #tpu.memory_space<vmem>>, vector<512x256xf32>
    tpu.vector_store %arg7[%swap3A_411, %swap3A_412], %add3A_410 {strides = array<i32>} : memref<512x4096xf32, #tpu.memory_space<vmem>>, vector<512x256xf32>,
    %slice3A_414 = vector.extract_strided_slice %max3A_25 {offsets = [72, 0], sizes = [8, 512], strides = [1, 1]} : vector<128x512xf32> to vector<8x512xf32>
    %slice3A_415 = vector.extract_strided_slice %transpose3A {offsets = [72, 0], sizes = [8, 512], strides = [1, 1]} : vector<128x512xf32> to vector<8x512xf32>
    %slice3A_416 = vector.extract_strided_slice %transpose3A_5 {offsets = [72, 0], sizes = [8, 512], strides = [1, 1]} : vector<128x512xf32> to vector<8x512xf32>
    %slice3A_417 = vector.extract_strided_slice %min3A {offsets = [72, 0], sizes = [8, 512], strides = [1, 1]} : vector<128x512xf32> to vector<8x512xf32>
    %slice3A_418 = vector.extract_strided_slice %transpose3A_9 {offsets = [72, 0], sizes = [8, 512], strides = [1, 1]} : vector<128x512xf32> to vector<8x512xf32>
    %slice3A_419 = vector.extract_strided_slice %min3A_14 {offsets = [72, 0], sizes = [8, 512], strides = [1, 1]} : vector<128x512xf32> to vector<8x512xf32>
    %slice3A_420 = vector.extract_strided_slice %min3A_15 {offsets = [72, 0], sizes = [8, 512], strides = [1, 1]} : vector<128x512xf32> to vector<8x512xf32>
    %slice3A_421 = vector.extract_strided_slice %min3A_19 {offsets = [72, 0], sizes = [8, 512], strides = [1, 1]} : vector<128x512xf32> to vector<8x512xf32>
    %slice3A_422 = vector.extract_strided_slice %transpose3A_13 {offsets = [72, 0], sizes = [8, 512], strides = [1, 1]} : vector<128x512xf32> to vector<8x512xf32>
    %slice3A_423 = vector.extract_strided_slice %min3A_16 {offsets = [72, 0], sizes = [8, 512], strides = [1, 1]} : vector<128x512xf32> to vector<8x512xf32>
    %slice3A_424 = vector.extract_strided_slice %min3A_17 {offsets = [72, 0], sizes = [8, 512], strides = [1, 1]} : vector<128x512xf32> to vector<8x512xf32>
    %slice3A_425 = vector.extract_strided_slice %min3A_20 {offsets = [72, 0], sizes = [8, 512], strides = [1, 1]} : vector<128x512xf32> to vector<8x512xf32>
    %slice3A_426 = vector.extract_strided_slice %min3A_18 {offsets = [72, 0], sizes = [8, 512], strides = [1, 1]} : vector<128x512xf32> to vector<8x512xf32>
    %slice3A_427 = vector.extract_strided_slice %min3A_21 {offsets = [72, 0], sizes = [8, 512], strides = [1, 1]} : vector<128x512xf32> to vector<8x512xf32>
    %slice3A_428 = vector.extract_strided_slice %min3A_22 {offsets = [72, 0], sizes = [8, 512], strides = [1, 1]} : vector<128x512xf32> to vector<8x512xf32>
    %slice3A_429 = vector.extract_strided_slice %min3A_23 {offsets = [72, 0], sizes = [8, 512], strides = [1, 1]} : vector<128x512xf32> to vector<8x512xf32>
    %concatenate3A_430 = tpu.concatenate %slice3A_414, %slice3A_415, %slice3A_416, %slice3A_417, %slice3A_418, %slice3A_419, %slice3A_420, %slice3A_421, %slice3A_422, %slice3A_423, %slice3A_424, %slice3A_425, %slice3A_426, %slice3A_427, %slice3A_428, %slice3A_429 in 0 : vector<8x512xf32>, vector<8x512xf32>, vector<8x512xf32>, vector<8x512xf32>, vector<8x512xf32>, vector<8x512xf32>, vector<8x512xf32>, vector<8x512xf32>, vector<8x512xf32>, vector<8x512xf32>, vector<8x512xf32>, vector<8x512xf32>, vector<8x512xf32>, vector<8x512xf32>, vector<8x512xf32>, vector<8x512xf32> -> vector<128x512xf32>
    %bitcast_convert_type3A_431 = tpu.bitcast %concatenate3A_430 : vector<128x512xf32> -> vector<128x512xi32>
    %and3A_432 = arith.constant -65536 : i32
    %and3A_433 = vector.broadcast %and3A_432 : i32 to vector<128x512xi32>
    %and3A_434 = arith.andi %bitcast_convert_type3A_431, %and3A_433 : vector<128x512xi32>
    %bitcast_convert_type3A_435 = tpu.bitcast %and3A_434 : vector<128x512xi32> -> vector<128x512xf32>
    %sub3A_436 = arith.subf %concatenate3A_430, %bitcast_convert_type3A_435 : vector<128x512xf32>
    %get3A_437 = arith.constant 9 : index
    %get3A_438 = arith.constant 0 : index
    %get3A_439 = arith.constant 0 : index
    %get3A_440 = vector.load %arg5[%get3A_437, %get3A_438, %get3A_439] : memref<16x128x256xf32, #tpu.memory_space<vmem>>, vector<1x128x256xf32>
    %get3A_441 = vector.shape_cast %get3A_440 : vector<1x128x256xf32> to vector<128x256xf32>
    %get3A_442 = arith.constant 9 : index
    %get3A_443 = arith.constant 0 : index
    %get3A_444 = arith.constant 0 : index
    %get3A_445 = vector.load %arg6[%get3A_442, %get3A_443, %get3A_444] : memref<16x128x256xf32, #tpu.memory_space<vmem>>, vector<1x128x256xf32>
    %get3A_446 = vector.shape_cast %get3A_445 : vector<1x128x256xf32> to vector<128x256xf32>
    %dot_general3A_447 = arith.constant dense<0.000000e+00> : vector<512x256xf32>
    %dot_general3A_448 = tpu.matmul %bitcast_convert_type3A_435, %get3A_441, %dot_general3A_447 {dimension_numbers = #tpu.dot_dimension_numbers<[0], [0], [1], [1], [0, 1, 1, 1], [], []>, transpose_lhs_hint = false} : vector<128x512xf32>, vector<128x256xf32>, vector<512x256xf32> -> vector<512x256xf32>
    %dot_general3A_449 = arith.constant dense<0.000000e+00> : vector<512x256xf32>
    %dot_general3A_450 = tpu.matmul %sub3A_436, %get3A_441, %dot_general3A_449 {dimension_numbers = #tpu.dot_dimension_numbers<[0], [0], [1], [1], [0, 1, 1, 1], [], []>, transpose_lhs_hint = false} : vector<128x512xf32>, vector<128x256xf32>, vector<512x256xf32> -> vector<512x256xf32>
    %add3A_451 = arith.addf %dot_general3A_448, %dot_general3A_450 : vector<512x256xf32>
    %dot_general3A_452 = arith.constant dense<0.000000e+00> : vector<512x256xf32>
    %dot_general3A_453 = tpu.matmul %bitcast_convert_type3A_435, %get3A_446, %dot_general3A_452 {dimension_numbers = #tpu.dot_dimension_numbers<[0], [0], [1], [1], [0, 1, 1, 1], [], []>, transpose_lhs_hint = false} : vector<128x512xf32>, vector<128x256xf32>, vector<512x256xf32> -> vector<512x256xf32>
    %add3A_454 = arith.addf %add3A_451, %dot_general3A_453 : vector<512x256xf32>
    %swap3A_455 = arith.constant 0 : index
    %swap3A_456 = arith.constant 2304 : index
    %swap3A_457 = vector.load %arg7[%swap3A_455, %swap3A_456] : memref<512x4096xf32, #tpu.memory_space<vmem>>, vector<512x256xf32>
    tpu.vector_store %arg7[%swap3A_455, %swap3A_456], %add3A_454 {strides = array<i32>} : memref<512x4096xf32, #tpu.memory_space<vmem>>, vector<512x256xf32>,
    %slice3A_458 = vector.extract_strided_slice %max3A_25 {offsets = [80, 0], sizes = [8, 512], strides = [1, 1]} : vector<128x512xf32> to vector<8x512xf32>
    %slice3A_459 = vector.extract_strided_slice %transpose3A {offsets = [80, 0], sizes = [8, 512], strides = [1, 1]} : vector<128x512xf32> to vector<8x512xf32>
    %slice3A_460 = vector.extract_strided_slice %transpose3A_5 {offsets = [80, 0], sizes = [8, 512], strides = [1, 1]} : vector<128x512xf32> to vector<8x512xf32>
    %slice3A_461 = vector.extract_strided_slice %min3A {offsets = [80, 0], sizes = [8, 512], strides = [1, 1]} : vector<128x512xf32> to vector<8x512xf32>
    %slice3A_462 = vector.extract_strided_slice %transpose3A_9 {offsets = [80, 0], sizes = [8, 512], strides = [1, 1]} : vector<128x512xf32> to vector<8x512xf32>
    %slice3A_463 = vector.extract_strided_slice %min3A_14 {offsets = [80, 0], sizes = [8, 512], strides = [1, 1]} : vector<128x512xf32> to vector<8x512xf32>
    %slice3A_464 = vector.extract_strided_slice %min3A_15 {offsets = [80, 0], sizes = [8, 512], strides = [1, 1]} : vector<128x512xf32> to vector<8x512xf32>
    %slice3A_465 = vector.extract_strided_slice %min3A_19 {offsets = [80, 0], sizes = [8, 512], strides = [1, 1]} : vector<128x512xf32> to vector<8x512xf32>
    %slice3A_466 = vector.extract_strided_slice %transpose3A_13 {offsets = [80, 0], sizes = [8, 512], strides = [1, 1]} : vector<128x512xf32> to vector<8x512xf32>
    %slice3A_467 = vector.extract_strided_slice %min3A_16 {offsets = [80, 0], sizes = [8, 512], strides = [1, 1]} : vector<128x512xf32> to vector<8x512xf32>
    %slice3A_468 = vector.extract_strided_slice %min3A_17 {offsets = [80, 0], sizes = [8, 512], strides = [1, 1]} : vector<128x512xf32> to vector<8x512xf32>
    %slice3A_469 = vector.extract_strided_slice %min3A_20 {offsets = [80, 0], sizes = [8, 512], strides = [1, 1]} : vector<128x512xf32> to vector<8x512xf32>
    %slice3A_470 = vector.extract_strided_slice %min3A_18 {offsets = [80, 0], sizes = [8, 512], strides = [1, 1]} : vector<128x512xf32> to vector<8x512xf32>
    %slice3A_471 = vector.extract_strided_slice %min3A_21 {offsets = [80, 0], sizes = [8, 512], strides = [1, 1]} : vector<128x512xf32> to vector<8x512xf32>
    %slice3A_472 = vector.extract_strided_slice %min3A_22 {offsets = [80, 0], sizes = [8, 512], strides = [1, 1]} : vector<128x512xf32> to vector<8x512xf32>
    %slice3A_473 = vector.extract_strided_slice %min3A_23 {offsets = [80, 0], sizes = [8, 512], strides = [1, 1]} : vector<128x512xf32> to vector<8x512xf32>
    %concatenate3A_474 = tpu.concatenate %slice3A_458, %slice3A_459, %slice3A_460, %slice3A_461, %slice3A_462, %slice3A_463, %slice3A_464, %slice3A_465, %slice3A_466, %slice3A_467, %slice3A_468, %slice3A_469, %slice3A_470, %slice3A_471, %slice3A_472, %slice3A_473 in 0 : vector<8x512xf32>, vector<8x512xf32>, vector<8x512xf32>, vector<8x512xf32>, vector<8x512xf32>, vector<8x512xf32>, vector<8x512xf32>, vector<8x512xf32>, vector<8x512xf32>, vector<8x512xf32>, vector<8x512xf32>, vector<8x512xf32>, vector<8x512xf32>, vector<8x512xf32>, vector<8x512xf32>, vector<8x512xf32> -> vector<128x512xf32>
    %bitcast_convert_type3A_475 = tpu.bitcast %concatenate3A_474 : vector<128x512xf32> -> vector<128x512xi32>
    %and3A_476 = arith.constant -65536 : i32
    %and3A_477 = vector.broadcast %and3A_476 : i32 to vector<128x512xi32>
    %and3A_478 = arith.andi %bitcast_convert_type3A_475, %and3A_477 : vector<128x512xi32>
    %bitcast_convert_type3A_479 = tpu.bitcast %and3A_478 : vector<128x512xi32> -> vector<128x512xf32>
    %sub3A_480 = arith.subf %concatenate3A_474, %bitcast_convert_type3A_479 : vector<128x512xf32>
    %get3A_481 = arith.constant 10 : index
    %get3A_482 = arith.constant 0 : index
    %get3A_483 = arith.constant 0 : index
    %get3A_484 = vector.load %arg5[%get3A_481, %get3A_482, %get3A_483] : memref<16x128x256xf32, #tpu.memory_space<vmem>>, vector<1x128x256xf32>
    %get3A_485 = vector.shape_cast %get3A_484 : vector<1x128x256xf32> to vector<128x256xf32>
    %get3A_486 = arith.constant 10 : index
    %get3A_487 = arith.constant 0 : index
    %get3A_488 = arith.constant 0 : index
    %get3A_489 = vector.load %arg6[%get3A_486, %get3A_487, %get3A_488] : memref<16x128x256xf32, #tpu.memory_space<vmem>>, vector<1x128x256xf32>
    %get3A_490 = vector.shape_cast %get3A_489 : vector<1x128x256xf32> to vector<128x256xf32>
    %dot_general3A_491 = arith.constant dense<0.000000e+00> : vector<512x256xf32>
    %dot_general3A_492 = tpu.matmul %bitcast_convert_type3A_479, %get3A_485, %dot_general3A_491 {dimension_numbers = #tpu.dot_dimension_numbers<[0], [0], [1], [1], [0, 1, 1, 1], [], []>, transpose_lhs_hint = false} : vector<128x512xf32>, vector<128x256xf32>, vector<512x256xf32> -> vector<512x256xf32>
    %dot_general3A_493 = arith.constant dense<0.000000e+00> : vector<512x256xf32>
    %dot_general3A_494 = tpu.matmul %sub3A_480, %get3A_485, %dot_general3A_493 {dimension_numbers = #tpu.dot_dimension_numbers<[0], [0], [1], [1], [0, 1, 1, 1], [], []>, transpose_lhs_hint = false} : vector<128x512xf32>, vector<128x256xf32>, vector<512x256xf32> -> vector<512x256xf32>
    %add3A_495 = arith.addf %dot_general3A_492, %dot_general3A_494 : vector<512x256xf32>
    %dot_general3A_496 = arith.constant dense<0.000000e+00> : vector<512x256xf32>
    %dot_general3A_497 = tpu.matmul %bitcast_convert_type3A_479, %get3A_490, %dot_general3A_496 {dimension_numbers = #tpu.dot_dimension_numbers<[0], [0], [1], [1], [0, 1, 1, 1], [], []>, transpose_lhs_hint = false} : vector<128x512xf32>, vector<128x256xf32>, vector<512x256xf32> -> vector<512x256xf32>
    %add3A_498 = arith.addf %add3A_495, %dot_general3A_497 : vector<512x256xf32>
    %swap3A_499 = arith.constant 0 : index
    %swap3A_500 = arith.constant 2560 : index
    %swap3A_501 = vector.load %arg7[%swap3A_499, %swap3A_500] : memref<512x4096xf32, #tpu.memory_space<vmem>>, vector<512x256xf32>
    tpu.vector_store %arg7[%swap3A_499, %swap3A_500], %add3A_498 {strides = array<i32>} : memref<512x4096xf32, #tpu.memory_space<vmem>>, vector<512x256xf32>,
    %slice3A_502 = vector.extract_strided_slice %max3A_25 {offsets = [88, 0], sizes = [8, 512], strides = [1, 1]} : vector<128x512xf32> to vector<8x512xf32>
    %slice3A_503 = vector.extract_strided_slice %transpose3A {offsets = [88, 0], sizes = [8, 512], strides = [1, 1]} : vector<128x512xf32> to vector<8x512xf32>
    %slice3A_504 = vector.extract_strided_slice %transpose3A_5 {offsets = [88, 0], sizes = [8, 512], strides = [1, 1]} : vector<128x512xf32> to vector<8x512xf32>
    %slice3A_505 = vector.extract_strided_slice %min3A {offsets = [88, 0], sizes = [8, 512], strides = [1, 1]} : vector<128x512xf32> to vector<8x512xf32>
    %slice3A_506 = vector.extract_strided_slice %transpose3A_9 {offsets = [88, 0], sizes = [8, 512], strides = [1, 1]} : vector<128x512xf32> to vector<8x512xf32>
    %slice3A_507 = vector.extract_strided_slice %min3A_14 {offsets = [88, 0], sizes = [8, 512], strides = [1, 1]} : vector<128x512xf32> to vector<8x512xf32>
    %slice3A_508 = vector.extract_strided_slice %min3A_15 {offsets = [88, 0], sizes = [8, 512], strides = [1, 1]} : vector<128x512xf32> to vector<8x512xf32>
    %slice3A_509 = vector.extract_strided_slice %min3A_19 {offsets = [88, 0], sizes = [8, 512], strides = [1, 1]} : vector<128x512xf32> to vector<8x512xf32>
    %slice3A_510 = vector.extract_strided_slice %transpose3A_13 {offsets = [88, 0], sizes = [8, 512], strides = [1, 1]} : vector<128x512xf32> to vector<8x512xf32>
    %slice3A_511 = vector.extract_strided_slice %min3A_16 {offsets = [88, 0], sizes = [8, 512], strides = [1, 1]} : vector<128x512xf32> to vector<8x512xf32>
    %slice3A_512 = vector.extract_strided_slice %min3A_17 {offsets = [88, 0], sizes = [8, 512], strides = [1, 1]} : vector<128x512xf32> to vector<8x512xf32>
    %slice3A_513 = vector.extract_strided_slice %min3A_20 {offsets = [88, 0], sizes = [8, 512], strides = [1, 1]} : vector<128x512xf32> to vector<8x512xf32>
    %slice3A_514 = vector.extract_strided_slice %min3A_18 {offsets = [88, 0], sizes = [8, 512], strides = [1, 1]} : vector<128x512xf32> to vector<8x512xf32>
    %slice3A_515 = vector.extract_strided_slice %min3A_21 {offsets = [88, 0], sizes = [8, 512], strides = [1, 1]} : vector<128x512xf32> to vector<8x512xf32>
    %slice3A_516 = vector.extract_strided_slice %min3A_22 {offsets = [88, 0], sizes = [8, 512], strides = [1, 1]} : vector<128x512xf32> to vector<8x512xf32>
    %slice3A_517 = vector.extract_strided_slice %min3A_23 {offsets = [88, 0], sizes = [8, 512], strides = [1, 1]} : vector<128x512xf32> to vector<8x512xf32>
    %concatenate3A_518 = tpu.concatenate %slice3A_502, %slice3A_503, %slice3A_504, %slice3A_505, %slice3A_506, %slice3A_507, %slice3A_508, %slice3A_509, %slice3A_510, %slice3A_511, %slice3A_512, %slice3A_513, %slice3A_514, %slice3A_515, %slice3A_516, %slice3A_517 in 0 : vector<8x512xf32>, vector<8x512xf32>, vector<8x512xf32>, vector<8x512xf32>, vector<8x512xf32>, vector<8x512xf32>, vector<8x512xf32>, vector<8x512xf32>, vector<8x512xf32>, vector<8x512xf32>, vector<8x512xf32>, vector<8x512xf32>, vector<8x512xf32>, vector<8x512xf32>, vector<8x512xf32>, vector<8x512xf32> -> vector<128x512xf32>
    %bitcast_convert_type3A_519 = tpu.bitcast %concatenate3A_518 : vector<128x512xf32> -> vector<128x512xi32>
    %and3A_520 = arith.constant -65536 : i32
    %and3A_521 = vector.broadcast %and3A_520 : i32 to vector<128x512xi32>
    %and3A_522 = arith.andi %bitcast_convert_type3A_519, %and3A_521 : vector<128x512xi32>
    %bitcast_convert_type3A_523 = tpu.bitcast %and3A_522 : vector<128x512xi32> -> vector<128x512xf32>
    %sub3A_524 = arith.subf %concatenate3A_518, %bitcast_convert_type3A_523 : vector<128x512xf32>
    %get3A_525 = arith.constant 11 : index
    %get3A_526 = arith.constant 0 : index
    %get3A_527 = arith.constant 0 : index
    %get3A_528 = vector.load %arg5[%get3A_525, %get3A_526, %get3A_527] : memref<16x128x256xf32, #tpu.memory_space<vmem>>, vector<1x128x256xf32>
    %get3A_529 = vector.shape_cast %get3A_528 : vector<1x128x256xf32> to vector<128x256xf32>
    %get3A_530 = arith.constant 11 : index
    %get3A_531 = arith.constant 0 : index
    %get3A_532 = arith.constant 0 : index
    %get3A_533 = vector.load %arg6[%get3A_530, %get3A_531, %get3A_532] : memref<16x128x256xf32, #tpu.memory_space<vmem>>, vector<1x128x256xf32>
    %get3A_534 = vector.shape_cast %get3A_533 : vector<1x128x256xf32> to vector<128x256xf32>
    %dot_general3A_535 = arith.constant dense<0.000000e+00> : vector<512x256xf32>
    %dot_general3A_536 = tpu.matmul %bitcast_convert_type3A_523, %get3A_529, %dot_general3A_535 {dimension_numbers = #tpu.dot_dimension_numbers<[0], [0], [1], [1], [0, 1, 1, 1], [], []>, transpose_lhs_hint = false} : vector<128x512xf32>, vector<128x256xf32>, vector<512x256xf32> -> vector<512x256xf32>
    %dot_general3A_537 = arith.constant dense<0.000000e+00> : vector<512x256xf32>
    %dot_general3A_538 = tpu.matmul %sub3A_524, %get3A_529, %dot_general3A_537 {dimension_numbers = #tpu.dot_dimension_numbers<[0], [0], [1], [1], [0, 1, 1, 1], [], []>, transpose_lhs_hint = false} : vector<128x512xf32>, vector<128x256xf32>, vector<512x256xf32> -> vector<512x256xf32>
    %add3A_539 = arith.addf %dot_general3A_536, %dot_general3A_538 : vector<512x256xf32>
    %dot_general3A_540 = arith.constant dense<0.000000e+00> : vector<512x256xf32>
    %dot_general3A_541 = tpu.matmul %bitcast_convert_type3A_523, %get3A_534, %dot_general3A_540 {dimension_numbers = #tpu.dot_dimension_numbers<[0], [0], [1], [1], [0, 1, 1, 1], [], []>, transpose_lhs_hint = false} : vector<128x512xf32>, vector<128x256xf32>, vector<512x256xf32> -> vector<512x256xf32>
    %add3A_542 = arith.addf %add3A_539, %dot_general3A_541 : vector<512x256xf32>
    %swap3A_543 = arith.constant 0 : index
    %swap3A_544 = arith.constant 2816 : index
    %swap3A_545 = vector.load %arg7[%swap3A_543, %swap3A_544] : memref<512x4096xf32, #tpu.memory_space<vmem>>, vector<512x256xf32>
    tpu.vector_store %arg7[%swap3A_543, %swap3A_544], %add3A_542 {strides = array<i32>} : memref<512x4096xf32, #tpu.memory_space<vmem>>, vector<512x256xf32>,
    %slice3A_546 = vector.extract_strided_slice %max3A_25 {offsets = [96, 0], sizes = [8, 512], strides = [1, 1]} : vector<128x512xf32> to vector<8x512xf32>
    %slice3A_547 = vector.extract_strided_slice %transpose3A {offsets = [96, 0], sizes = [8, 512], strides = [1, 1]} : vector<128x512xf32> to vector<8x512xf32>
    %slice3A_548 = vector.extract_strided_slice %transpose3A_5 {offsets = [96, 0], sizes = [8, 512], strides = [1, 1]} : vector<128x512xf32> to vector<8x512xf32>
    %slice3A_549 = vector.extract_strided_slice %min3A {offsets = [96, 0], sizes = [8, 512], strides = [1, 1]} : vector<128x512xf32> to vector<8x512xf32>
    %slice3A_550 = vector.extract_strided_slice %transpose3A_9 {offsets = [96, 0], sizes = [8, 512], strides = [1, 1]} : vector<128x512xf32> to vector<8x512xf32>
    %slice3A_551 = vector.extract_strided_slice %min3A_14 {offsets = [96, 0], sizes = [8, 512], strides = [1, 1]} : vector<128x512xf32> to vector<8x512xf32>
    %slice3A_552 = vector.extract_strided_slice %min3A_15 {offsets = [96, 0], sizes = [8, 512], strides = [1, 1]} : vector<128x512xf32> to vector<8x512xf32>
    %slice3A_553 = vector.extract_strided_slice %min3A_19 {offsets = [96, 0], sizes = [8, 512], strides = [1, 1]} : vector<128x512xf32> to vector<8x512xf32>
    %slice3A_554 = vector.extract_strided_slice %transpose3A_13 {offsets = [96, 0], sizes = [8, 512], strides = [1, 1]} : vector<128x512xf32> to vector<8x512xf32>
    %slice3A_555 = vector.extract_strided_slice %min3A_16 {offsets = [96, 0], sizes = [8, 512], strides = [1, 1]} : vector<128x512xf32> to vector<8x512xf32>
    %slice3A_556 = vector.extract_strided_slice %min3A_17 {offsets = [96, 0], sizes = [8, 512], strides = [1, 1]} : vector<128x512xf32> to vector<8x512xf32>
    %slice3A_557 = vector.extract_strided_slice %min3A_20 {offsets = [96, 0], sizes = [8, 512], strides = [1, 1]} : vector<128x512xf32> to vector<8x512xf32>
    %slice3A_558 = vector.extract_strided_slice %min3A_18 {offsets = [96, 0], sizes = [8, 512], strides = [1, 1]} : vector<128x512xf32> to vector<8x512xf32>
    %slice3A_559 = vector.extract_strided_slice %min3A_21 {offsets = [96, 0], sizes = [8, 512], strides = [1, 1]} : vector<128x512xf32> to vector<8x512xf32>
    %slice3A_560 = vector.extract_strided_slice %min3A_22 {offsets = [96, 0], sizes = [8, 512], strides = [1, 1]} : vector<128x512xf32> to vector<8x512xf32>
    %slice3A_561 = vector.extract_strided_slice %min3A_23 {offsets = [96, 0], sizes = [8, 512], strides = [1, 1]} : vector<128x512xf32> to vector<8x512xf32>
    %concatenate3A_562 = tpu.concatenate %slice3A_546, %slice3A_547, %slice3A_548, %slice3A_549, %slice3A_550, %slice3A_551, %slice3A_552, %slice3A_553, %slice3A_554, %slice3A_555, %slice3A_556, %slice3A_557, %slice3A_558, %slice3A_559, %slice3A_560, %slice3A_561 in 0 : vector<8x512xf32>, vector<8x512xf32>, vector<8x512xf32>, vector<8x512xf32>, vector<8x512xf32>, vector<8x512xf32>, vector<8x512xf32>, vector<8x512xf32>, vector<8x512xf32>, vector<8x512xf32>, vector<8x512xf32>, vector<8x512xf32>, vector<8x512xf32>, vector<8x512xf32>, vector<8x512xf32>, vector<8x512xf32> -> vector<128x512xf32>
    %bitcast_convert_type3A_563 = tpu.bitcast %concatenate3A_562 : vector<128x512xf32> -> vector<128x512xi32>
    %and3A_564 = arith.constant -65536 : i32
    %and3A_565 = vector.broadcast %and3A_564 : i32 to vector<128x512xi32>
    %and3A_566 = arith.andi %bitcast_convert_type3A_563, %and3A_565 : vector<128x512xi32>
    %bitcast_convert_type3A_567 = tpu.bitcast %and3A_566 : vector<128x512xi32> -> vector<128x512xf32>
    %sub3A_568 = arith.subf %concatenate3A_562, %bitcast_convert_type3A_567 : vector<128x512xf32>
    %get3A_569 = arith.constant 12 : index
    %get3A_570 = arith.constant 0 : index
    %get3A_571 = arith.constant 0 : index
    %get3A_572 = vector.load %arg5[%get3A_569, %get3A_570, %get3A_571] : memref<16x128x256xf32, #tpu.memory_space<vmem>>, vector<1x128x256xf32>
    %get3A_573 = vector.shape_cast %get3A_572 : vector<1x128x256xf32> to vector<128x256xf32>
    %get3A_574 = arith.constant 12 : index
    %get3A_575 = arith.constant 0 : index
    %get3A_576 = arith.constant 0 : index
    %get3A_577 = vector.load %arg6[%get3A_574, %get3A_575, %get3A_576] : memref<16x128x256xf32, #tpu.memory_space<vmem>>, vector<1x128x256xf32>
    %get3A_578 = vector.shape_cast %get3A_577 : vector<1x128x256xf32> to vector<128x256xf32>
    %dot_general3A_579 = arith.constant dense<0.000000e+00> : vector<512x256xf32>
    %dot_general3A_580 = tpu.matmul %bitcast_convert_type3A_567, %get3A_573, %dot_general3A_579 {dimension_numbers = #tpu.dot_dimension_numbers<[0], [0], [1], [1], [0, 1, 1, 1], [], []>, transpose_lhs_hint = false} : vector<128x512xf32>, vector<128x256xf32>, vector<512x256xf32> -> vector<512x256xf32>
    %dot_general3A_581 = arith.constant dense<0.000000e+00> : vector<512x256xf32>
    %dot_general3A_582 = tpu.matmul %sub3A_568, %get3A_573, %dot_general3A_581 {dimension_numbers = #tpu.dot_dimension_numbers<[0], [0], [1], [1], [0, 1, 1, 1], [], []>, transpose_lhs_hint = false} : vector<128x512xf32>, vector<128x256xf32>, vector<512x256xf32> -> vector<512x256xf32>
    %add3A_583 = arith.addf %dot_general3A_580, %dot_general3A_582 : vector<512x256xf32>
    %dot_general3A_584 = arith.constant dense<0.000000e+00> : vector<512x256xf32>
    %dot_general3A_585 = tpu.matmul %bitcast_convert_type3A_567, %get3A_578, %dot_general3A_584 {dimension_numbers = #tpu.dot_dimension_numbers<[0], [0], [1], [1], [0, 1, 1, 1], [], []>, transpose_lhs_hint = false} : vector<128x512xf32>, vector<128x256xf32>, vector<512x256xf32> -> vector<512x256xf32>
    %add3A_586 = arith.addf %add3A_583, %dot_general3A_585 : vector<512x256xf32>
    %swap3A_587 = arith.constant 0 : index
    %swap3A_588 = arith.constant 3072 : index
    %swap3A_589 = vector.load %arg7[%swap3A_587, %swap3A_588] : memref<512x4096xf32, #tpu.memory_space<vmem>>, vector<512x256xf32>
    tpu.vector_store %arg7[%swap3A_587, %swap3A_588], %add3A_586 {strides = array<i32>} : memref<512x4096xf32, #tpu.memory_space<vmem>>, vector<512x256xf32>,
    %slice3A_590 = vector.extract_strided_slice %max3A_25 {offsets = [104, 0], sizes = [8, 512], strides = [1, 1]} : vector<128x512xf32> to vector<8x512xf32>
    %slice3A_591 = vector.extract_strided_slice %transpose3A {offsets = [104, 0], sizes = [8, 512], strides = [1, 1]} : vector<128x512xf32> to vector<8x512xf32>
    %slice3A_592 = vector.extract_strided_slice %transpose3A_5 {offsets = [104, 0], sizes = [8, 512], strides = [1, 1]} : vector<128x512xf32> to vector<8x512xf32>
    %slice3A_593 = vector.extract_strided_slice %min3A {offsets = [104, 0], sizes = [8, 512], strides = [1, 1]} : vector<128x512xf32> to vector<8x512xf32>
    %slice3A_594 = vector.extract_strided_slice %transpose3A_9 {offsets = [104, 0], sizes = [8, 512], strides = [1, 1]} : vector<128x512xf32> to vector<8x512xf32>
    %slice3A_595 = vector.extract_strided_slice %min3A_14 {offsets = [104, 0], sizes = [8, 512], strides = [1, 1]} : vector<128x512xf32> to vector<8x512xf32>
    %slice3A_596 = vector.extract_strided_slice %min3A_15 {offsets = [104, 0], sizes = [8, 512], strides = [1, 1]} : vector<128x512xf32> to vector<8x512xf32>
    %slice3A_597 = vector.extract_strided_slice %min3A_19 {offsets = [104, 0], sizes = [8, 512], strides = [1, 1]} : vector<128x512xf32> to vector<8x512xf32>
    %slice3A_598 = vector.extract_strided_slice %transpose3A_13 {offsets = [104, 0], sizes = [8, 512], strides = [1, 1]} : vector<128x512xf32> to vector<8x512xf32>
    %slice3A_599 = vector.extract_strided_slice %min3A_16 {offsets = [104, 0], sizes = [8, 512], strides = [1, 1]} : vector<128x512xf32> to vector<8x512xf32>
    %slice3A_600 = vector.extract_strided_slice %min3A_17 {offsets = [104, 0], sizes = [8, 512], strides = [1, 1]} : vector<128x512xf32> to vector<8x512xf32>
    %slice3A_601 = vector.extract_strided_slice %min3A_20 {offsets = [104, 0], sizes = [8, 512], strides = [1, 1]} : vector<128x512xf32> to vector<8x512xf32>
    %slice3A_602 = vector.extract_strided_slice %min3A_18 {offsets = [104, 0], sizes = [8, 512], strides = [1, 1]} : vector<128x512xf32> to vector<8x512xf32>
    %slice3A_603 = vector.extract_strided_slice %min3A_21 {offsets = [104, 0], sizes = [8, 512], strides = [1, 1]} : vector<128x512xf32> to vector<8x512xf32>
    %slice3A_604 = vector.extract_strided_slice %min3A_22 {offsets = [104, 0], sizes = [8, 512], strides = [1, 1]} : vector<128x512xf32> to vector<8x512xf32>
    %slice3A_605 = vector.extract_strided_slice %min3A_23 {offsets = [104, 0], sizes = [8, 512], strides = [1, 1]} : vector<128x512xf32> to vector<8x512xf32>
    %concatenate3A_606 = tpu.concatenate %slice3A_590, %slice3A_591, %slice3A_592, %slice3A_593, %slice3A_594, %slice3A_595, %slice3A_596, %slice3A_597, %slice3A_598, %slice3A_599, %slice3A_600, %slice3A_601, %slice3A_602, %slice3A_603, %slice3A_604, %slice3A_605 in 0 : vector<8x512xf32>, vector<8x512xf32>, vector<8x512xf32>, vector<8x512xf32>, vector<8x512xf32>, vector<8x512xf32>, vector<8x512xf32>, vector<8x512xf32>, vector<8x512xf32>, vector<8x512xf32>, vector<8x512xf32>, vector<8x512xf32>, vector<8x512xf32>, vector<8x512xf32>, vector<8x512xf32>, vector<8x512xf32> -> vector<128x512xf32>
    %bitcast_convert_type3A_607 = tpu.bitcast %concatenate3A_606 : vector<128x512xf32> -> vector<128x512xi32>
    %and3A_608 = arith.constant -65536 : i32
    %and3A_609 = vector.broadcast %and3A_608 : i32 to vector<128x512xi32>
    %and3A_610 = arith.andi %bitcast_convert_type3A_607, %and3A_609 : vector<128x512xi32>
    %bitcast_convert_type3A_611 = tpu.bitcast %and3A_610 : vector<128x512xi32> -> vector<128x512xf32>
    %sub3A_612 = arith.subf %concatenate3A_606, %bitcast_convert_type3A_611 : vector<128x512xf32>
    %get3A_613 = arith.constant 13 : index
    %get3A_614 = arith.constant 0 : index
    %get3A_615 = arith.constant 0 : index
    %get3A_616 = vector.load %arg5[%get3A_613, %get3A_614, %get3A_615] : memref<16x128x256xf32, #tpu.memory_space<vmem>>, vector<1x128x256xf32>
    %get3A_617 = vector.shape_cast %get3A_616 : vector<1x128x256xf32> to vector<128x256xf32>
    %get3A_618 = arith.constant 13 : index
    %get3A_619 = arith.constant 0 : index
    %get3A_620 = arith.constant 0 : index
    %get3A_621 = vector.load %arg6[%get3A_618, %get3A_619, %get3A_620] : memref<16x128x256xf32, #tpu.memory_space<vmem>>, vector<1x128x256xf32>
    %get3A_622 = vector.shape_cast %get3A_621 : vector<1x128x256xf32> to vector<128x256xf32>
    %dot_general3A_623 = arith.constant dense<0.000000e+00> : vector<512x256xf32>
    %dot_general3A_624 = tpu.matmul %bitcast_convert_type3A_611, %get3A_617, %dot_general3A_623 {dimension_numbers = #tpu.dot_dimension_numbers<[0], [0], [1], [1], [0, 1, 1, 1], [], []>, transpose_lhs_hint = false} : vector<128x512xf32>, vector<128x256xf32>, vector<512x256xf32> -> vector<512x256xf32>
    %dot_general3A_625 = arith.constant dense<0.000000e+00> : vector<512x256xf32>
    %dot_general3A_626 = tpu.matmul %sub3A_612, %get3A_617, %dot_general3A_625 {dimension_numbers = #tpu.dot_dimension_numbers<[0], [0], [1], [1], [0, 1, 1, 1], [], []>, transpose_lhs_hint = false} : vector<128x512xf32>, vector<128x256xf32>, vector<512x256xf32> -> vector<512x256xf32>
    %add3A_627 = arith.addf %dot_general3A_624, %dot_general3A_626 : vector<512x256xf32>
    %dot_general3A_628 = arith.constant dense<0.000000e+00> : vector<512x256xf32>
    %dot_general3A_629 = tpu.matmul %bitcast_convert_type3A_611, %get3A_622, %dot_general3A_628 {dimension_numbers = #tpu.dot_dimension_numbers<[0], [0], [1], [1], [0, 1, 1, 1], [], []>, transpose_lhs_hint = false} : vector<128x512xf32>, vector<128x256xf32>, vector<512x256xf32> -> vector<512x256xf32>
    %add3A_630 = arith.addf %add3A_627, %dot_general3A_629 : vector<512x256xf32>
    %swap3A_631 = arith.constant 0 : index
    %swap3A_632 = arith.constant 3328 : index
    %swap3A_633 = vector.load %arg7[%swap3A_631, %swap3A_632] : memref<512x4096xf32, #tpu.memory_space<vmem>>, vector<512x256xf32>
    tpu.vector_store %arg7[%swap3A_631, %swap3A_632], %add3A_630 {strides = array<i32>} : memref<512x4096xf32, #tpu.memory_space<vmem>>, vector<512x256xf32>,
    %slice3A_634 = vector.extract_strided_slice %max3A_25 {offsets = [112, 0], sizes = [8, 512], strides = [1, 1]} : vector<128x512xf32> to vector<8x512xf32>
    %slice3A_635 = vector.extract_strided_slice %transpose3A {offsets = [112, 0], sizes = [8, 512], strides = [1, 1]} : vector<128x512xf32> to vector<8x512xf32>
    %slice3A_636 = vector.extract_strided_slice %transpose3A_5 {offsets = [112, 0], sizes = [8, 512], strides = [1, 1]} : vector<128x512xf32> to vector<8x512xf32>
    %slice3A_637 = vector.extract_strided_slice %min3A {offsets = [112, 0], sizes = [8, 512], strides = [1, 1]} : vector<128x512xf32> to vector<8x512xf32>
    %slice3A_638 = vector.extract_strided_slice %transpose3A_9 {offsets = [112, 0], sizes = [8, 512], strides = [1, 1]} : vector<128x512xf32> to vector<8x512xf32>
    %slice3A_639 = vector.extract_strided_slice %min3A_14 {offsets = [112, 0], sizes = [8, 512], strides = [1, 1]} : vector<128x512xf32> to vector<8x512xf32>
    %slice3A_640 = vector.extract_strided_slice %min3A_15 {offsets = [112, 0], sizes = [8, 512], strides = [1, 1]} : vector<128x512xf32> to vector<8x512xf32>
    %slice3A_641 = vector.extract_strided_slice %min3A_19 {offsets = [112, 0], sizes = [8, 512], strides = [1, 1]} : vector<128x512xf32> to vector<8x512xf32>
    %slice3A_642 = vector.extract_strided_slice %transpose3A_13 {offsets = [112, 0], sizes = [8, 512], strides = [1, 1]} : vector<128x512xf32> to vector<8x512xf32>
    %slice3A_643 = vector.extract_strided_slice %min3A_16 {offsets = [112, 0], sizes = [8, 512], strides = [1, 1]} : vector<128x512xf32> to vector<8x512xf32>
    %slice3A_644 = vector.extract_strided_slice %min3A_17 {offsets = [112, 0], sizes = [8, 512], strides = [1, 1]} : vector<128x512xf32> to vector<8x512xf32>
    %slice3A_645 = vector.extract_strided_slice %min3A_20 {offsets = [112, 0], sizes = [8, 512], strides = [1, 1]} : vector<128x512xf32> to vector<8x512xf32>
    %slice3A_646 = vector.extract_strided_slice %min3A_18 {offsets = [112, 0], sizes = [8, 512], strides = [1, 1]} : vector<128x512xf32> to vector<8x512xf32>
    %slice3A_647 = vector.extract_strided_slice %min3A_21 {offsets = [112, 0], sizes = [8, 512], strides = [1, 1]} : vector<128x512xf32> to vector<8x512xf32>
    %slice3A_648 = vector.extract_strided_slice %min3A_22 {offsets = [112, 0], sizes = [8, 512], strides = [1, 1]} : vector<128x512xf32> to vector<8x512xf32>
    %slice3A_649 = vector.extract_strided_slice %min3A_23 {offsets = [112, 0], sizes = [8, 512], strides = [1, 1]} : vector<128x512xf32> to vector<8x512xf32>
    %concatenate3A_650 = tpu.concatenate %slice3A_634, %slice3A_635, %slice3A_636, %slice3A_637, %slice3A_638, %slice3A_639, %slice3A_640, %slice3A_641, %slice3A_642, %slice3A_643, %slice3A_644, %slice3A_645, %slice3A_646, %slice3A_647, %slice3A_648, %slice3A_649 in 0 : vector<8x512xf32>, vector<8x512xf32>, vector<8x512xf32>, vector<8x512xf32>, vector<8x512xf32>, vector<8x512xf32>, vector<8x512xf32>, vector<8x512xf32>, vector<8x512xf32>, vector<8x512xf32>, vector<8x512xf32>, vector<8x512xf32>, vector<8x512xf32>, vector<8x512xf32>, vector<8x512xf32>, vector<8x512xf32> -> vector<128x512xf32>
    %bitcast_convert_type3A_651 = tpu.bitcast %concatenate3A_650 : vector<128x512xf32> -> vector<128x512xi32>
    %and3A_652 = arith.constant -65536 : i32
    %and3A_653 = vector.broadcast %and3A_652 : i32 to vector<128x512xi32>
    %and3A_654 = arith.andi %bitcast_convert_type3A_651, %and3A_653 : vector<128x512xi32>
    %bitcast_convert_type3A_655 = tpu.bitcast %and3A_654 : vector<128x512xi32> -> vector<128x512xf32>
    %sub3A_656 = arith.subf %concatenate3A_650, %bitcast_convert_type3A_655 : vector<128x512xf32>
    %get3A_657 = arith.constant 14 : index
    %get3A_658 = arith.constant 0 : index
    %get3A_659 = arith.constant 0 : index
    %get3A_660 = vector.load %arg5[%get3A_657, %get3A_658, %get3A_659] : memref<16x128x256xf32, #tpu.memory_space<vmem>>, vector<1x128x256xf32>
    %get3A_661 = vector.shape_cast %get3A_660 : vector<1x128x256xf32> to vector<128x256xf32>
    %get3A_662 = arith.constant 14 : index
    %get3A_663 = arith.constant 0 : index
    %get3A_664 = arith.constant 0 : index
    %get3A_665 = vector.load %arg6[%get3A_662, %get3A_663, %get3A_664] : memref<16x128x256xf32, #tpu.memory_space<vmem>>, vector<1x128x256xf32>
    %get3A_666 = vector.shape_cast %get3A_665 : vector<1x128x256xf32> to vector<128x256xf32>
    %dot_general3A_667 = arith.constant dense<0.000000e+00> : vector<512x256xf32>
    %dot_general3A_668 = tpu.matmul %bitcast_convert_type3A_655, %get3A_661, %dot_general3A_667 {dimension_numbers = #tpu.dot_dimension_numbers<[0], [0], [1], [1], [0, 1, 1, 1], [], []>, transpose_lhs_hint = false} : vector<128x512xf32>, vector<128x256xf32>, vector<512x256xf32> -> vector<512x256xf32>
    %dot_general3A_669 = arith.constant dense<0.000000e+00> : vector<512x256xf32>
    %dot_general3A_670 = tpu.matmul %sub3A_656, %get3A_661, %dot_general3A_669 {dimension_numbers = #tpu.dot_dimension_numbers<[0], [0], [1], [1], [0, 1, 1, 1], [], []>, transpose_lhs_hint = false} : vector<128x512xf32>, vector<128x256xf32>, vector<512x256xf32> -> vector<512x256xf32>
    %add3A_671 = arith.addf %dot_general3A_668, %dot_general3A_670 : vector<512x256xf32>
    %dot_general3A_672 = arith.constant dense<0.000000e+00> : vector<512x256xf32>
    %dot_general3A_673 = tpu.matmul %bitcast_convert_type3A_655, %get3A_666, %dot_general3A_672 {dimension_numbers = #tpu.dot_dimension_numbers<[0], [0], [1], [1], [0, 1, 1, 1], [], []>, transpose_lhs_hint = false} : vector<128x512xf32>, vector<128x256xf32>, vector<512x256xf32> -> vector<512x256xf32>
    %add3A_674 = arith.addf %add3A_671, %dot_general3A_673 : vector<512x256xf32>
    %swap3A_675 = arith.constant 0 : index
    %swap3A_676 = arith.constant 3584 : index
    %swap3A_677 = vector.load %arg7[%swap3A_675, %swap3A_676] : memref<512x4096xf32, #tpu.memory_space<vmem>>, vector<512x256xf32>
    tpu.vector_store %arg7[%swap3A_675, %swap3A_676], %add3A_674 {strides = array<i32>} : memref<512x4096xf32, #tpu.memory_space<vmem>>, vector<512x256xf32>,
    %slice3A_678 = vector.extract_strided_slice %max3A_25 {offsets = [120, 0], sizes = [8, 512], strides = [1, 1]} : vector<128x512xf32> to vector<8x512xf32>
    %slice3A_679 = vector.extract_strided_slice %transpose3A {offsets = [120, 0], sizes = [8, 512], strides = [1, 1]} : vector<128x512xf32> to vector<8x512xf32>
    %slice3A_680 = vector.extract_strided_slice %transpose3A_5 {offsets = [120, 0], sizes = [8, 512], strides = [1, 1]} : vector<128x512xf32> to vector<8x512xf32>
    %slice3A_681 = vector.extract_strided_slice %min3A {offsets = [120, 0], sizes = [8, 512], strides = [1, 1]} : vector<128x512xf32> to vector<8x512xf32>
    %slice3A_682 = vector.extract_strided_slice %transpose3A_9 {offsets = [120, 0], sizes = [8, 512], strides = [1, 1]} : vector<128x512xf32> to vector<8x512xf32>
    %slice3A_683 = vector.extract_strided_slice %min3A_14 {offsets = [120, 0], sizes = [8, 512], strides = [1, 1]} : vector<128x512xf32> to vector<8x512xf32>
    %slice3A_684 = vector.extract_strided_slice %min3A_15 {offsets = [120, 0], sizes = [8, 512], strides = [1, 1]} : vector<128x512xf32> to vector<8x512xf32>
    %slice3A_685 = vector.extract_strided_slice %min3A_19 {offsets = [120, 0], sizes = [8, 512], strides = [1, 1]} : vector<128x512xf32> to vector<8x512xf32>
    %slice3A_686 = vector.extract_strided_slice %transpose3A_13 {offsets = [120, 0], sizes = [8, 512], strides = [1, 1]} : vector<128x512xf32> to vector<8x512xf32>
    %slice3A_687 = vector.extract_strided_slice %min3A_16 {offsets = [120, 0], sizes = [8, 512], strides = [1, 1]} : vector<128x512xf32> to vector<8x512xf32>
    %slice3A_688 = vector.extract_strided_slice %min3A_17 {offsets = [120, 0], sizes = [8, 512], strides = [1, 1]} : vector<128x512xf32> to vector<8x512xf32>
    %slice3A_689 = vector.extract_strided_slice %min3A_20 {offsets = [120, 0], sizes = [8, 512], strides = [1, 1]} : vector<128x512xf32> to vector<8x512xf32>
    %slice3A_690 = vector.extract_strided_slice %min3A_18 {offsets = [120, 0], sizes = [8, 512], strides = [1, 1]} : vector<128x512xf32> to vector<8x512xf32>
    %slice3A_691 = vector.extract_strided_slice %min3A_21 {offsets = [120, 0], sizes = [8, 512], strides = [1, 1]} : vector<128x512xf32> to vector<8x512xf32>
    %slice3A_692 = vector.extract_strided_slice %min3A_22 {offsets = [120, 0], sizes = [8, 512], strides = [1, 1]} : vector<128x512xf32> to vector<8x512xf32>
    %slice3A_693 = vector.extract_strided_slice %min3A_23 {offsets = [120, 0], sizes = [8, 512], strides = [1, 1]} : vector<128x512xf32> to vector<8x512xf32>
    %concatenate3A_694 = tpu.concatenate %slice3A_678, %slice3A_679, %slice3A_680, %slice3A_681, %slice3A_682, %slice3A_683, %slice3A_684, %slice3A_685, %slice3A_686, %slice3A_687, %slice3A_688, %slice3A_689, %slice3A_690, %slice3A_691, %slice3A_692, %slice3A_693 in 0 : vector<8x512xf32>, vector<8x512xf32>, vector<8x512xf32>, vector<8x512xf32>, vector<8x512xf32>, vector<8x512xf32>, vector<8x512xf32>, vector<8x512xf32>, vector<8x512xf32>, vector<8x512xf32>, vector<8x512xf32>, vector<8x512xf32>, vector<8x512xf32>, vector<8x512xf32>, vector<8x512xf32>, vector<8x512xf32> -> vector<128x512xf32>
    %bitcast_convert_type3A_695 = tpu.bitcast %concatenate3A_694 : vector<128x512xf32> -> vector<128x512xi32>
    %and3A_696 = arith.constant -65536 : i32
    %and3A_697 = vector.broadcast %and3A_696 : i32 to vector<128x512xi32>
    %and3A_698 = arith.andi %bitcast_convert_type3A_695, %and3A_697 : vector<128x512xi32>
    %bitcast_convert_type3A_699 = tpu.bitcast %and3A_698 : vector<128x512xi32> -> vector<128x512xf32>
    %sub3A_700 = arith.subf %concatenate3A_694, %bitcast_convert_type3A_699 : vector<128x512xf32>
    %get3A_701 = arith.constant 15 : index
    %get3A_702 = arith.constant 0 : index
    %get3A_703 = arith.constant 0 : index
    %get3A_704 = vector.load %arg5[%get3A_701, %get3A_702, %get3A_703] : memref<16x128x256xf32, #tpu.memory_space<vmem>>, vector<1x128x256xf32>
    %get3A_705 = vector.shape_cast %get3A_704 : vector<1x128x256xf32> to vector<128x256xf32>
    %get3A_706 = arith.constant 15 : index
    %get3A_707 = arith.constant 0 : index
    %get3A_708 = arith.constant 0 : index
    %get3A_709 = vector.load %arg6[%get3A_706, %get3A_707, %get3A_708] : memref<16x128x256xf32, #tpu.memory_space<vmem>>, vector<1x128x256xf32>
    %get3A_710 = vector.shape_cast %get3A_709 : vector<1x128x256xf32> to vector<128x256xf32>
    %dot_general3A_711 = arith.constant dense<0.000000e+00> : vector<512x256xf32>
    %dot_general3A_712 = tpu.matmul %bitcast_convert_type3A_699, %get3A_705, %dot_general3A_711 {dimension_numbers = #tpu.dot_dimension_numbers<[0], [0], [1], [1], [0, 1, 1, 1], [], []>, transpose_lhs_hint = false} : vector<128x512xf32>, vector<128x256xf32>, vector<512x256xf32> -> vector<512x256xf32>
    %dot_general3A_713 = arith.constant dense<0.000000e+00> : vector<512x256xf32>
    %dot_general3A_714 = tpu.matmul %sub3A_700, %get3A_705, %dot_general3A_713 {dimension_numbers = #tpu.dot_dimension_numbers<[0], [0], [1], [1], [0, 1, 1, 1], [], []>, transpose_lhs_hint = false} : vector<128x512xf32>, vector<128x256xf32>, vector<512x256xf32> -> vector<512x256xf32>
    %add3A_715 = arith.addf %dot_general3A_712, %dot_general3A_714 : vector<512x256xf32>
    %dot_general3A_716 = arith.constant dense<0.000000e+00> : vector<512x256xf32>
    %dot_general3A_717 = tpu.matmul %bitcast_convert_type3A_699, %get3A_710, %dot_general3A_716 {dimension_numbers = #tpu.dot_dimension_numbers<[0], [0], [1], [1], [0, 1, 1, 1], [], []>, transpose_lhs_hint = false} : vector<128x512xf32>, vector<128x256xf32>, vector<512x256xf32> -> vector<512x256xf32>
    %add3A_718 = arith.addf %add3A_715, %dot_general3A_717 : vector<512x256xf32>
    %swap3A_719 = arith.constant 0 : index
    %swap3A_720 = arith.constant 3840 : index
    %swap3A_721 = vector.load %arg7[%swap3A_719, %swap3A_720] : memref<512x4096xf32, #tpu.memory_space<vmem>>, vector<512x256xf32>
    tpu.vector_store %arg7[%swap3A_719, %swap3A_720], %add3A_718 {strides = array<i32>} : memref<512x4096xf32, #tpu.memory_space<vmem>>, vector<512x256xf32>,
    return
  }
  func.func @transform_0(%arg0: i32) -> (i32, i32) {
    %c0_i32 = arith.constant 0 : i32
    %c0_i32_0 = arith.constant 0 : i32
    return %arg0, %c0_i32 : i32, i32
  }
  func.func @transform_1(%arg0: i32) -> (i32, i32) {
    %c0_i32 = arith.constant 0 : i32
    %c0_i32_0 = arith.constant 0 : i32
    return %arg0, %c0_i32 : i32, i32
  }
  func.func @transform_2(%arg0: i32) -> (i32, i32) {
    %c0_i32 = arith.constant 0 : i32
    %c0_i32_0 = arith.constant 0 : i32
    return %arg0, %c0_i32 : i32, i32
  }
  func.func @transform_3(%arg0: i32) -> (i32, i32) {
    %c0_i32 = arith.constant 0 : i32
    %c0_i32_0 = arith.constant 0 : i32
    return %arg0, %c0_i32 : i32, i32
  }
  func.func @transform_4(%arg0: i32) -> (i32, i32, i32) {
    %c0_i32 = arith.constant 0 : i32
    %c0_i32_0 = arith.constant 0 : i32
    %c0_i32_1 = arith.constant 0 : i32
    %c0_i32_2 = arith.constant 0 : i32
    return %c0_i32, %c0_i32_0, %c0_i32_1 : i32, i32, i32
  }
  func.func @transform_5(%arg0: i32) -> (i32, i32, i32) {
    %c0_i32 = arith.constant 0 : i32
    %c0_i32_0 = arith.constant 0 : i32
    %c0_i32_1 = arith.constant 0 : i32
    %c0_i32_2 = arith.constant 0 : i32
    return %c0_i32, %c0_i32_0, %c0_i32_1 : i32, i32, i32
  }
  func.func @transform_6(%arg0: i32) -> (i32, i32) {
    %c0_i32 = arith.constant 0 : i32
    %c0_i32_0 = arith.constant 0 : i32
    return %arg0, %c0_i32 : i32, i32
  }
}

</mosaic_0001>

<sc_bundles>
// kernel: sparse-core-data-format-call.cloned.1.call-start
scs
called_computation_lowered:
.L_overlay_start_0:
0x0: {  	s2 =	sld [smem:$0x3FD9]  }
0x1: {  	s3 =	sld [smem:$0x3FFE];
	_ =	sdelay $0x1  }
0x2: {  	s1 =	srdreg.scid  }
0x3: {  	s0 =	sand.u32 $0x1, s1  }
0x4: {  	s18 =	sshll.u32 s0, $0xA;
	s2 =	sadd.s32 s3, s2  }
0x5: {  	s2 =	sadd.s32 s2, s18  }
0x6: {  	[smem:$0x3FC6] =	sst s2  }
0x7: {  	_ = 	snop  }
0x8: {  	s2 =	sld [smem:$0x3FD0];
	(tm) =	ssettm $0x1  }
0x9: {  	s19 =	sld [smem:$0x3FFB];
	_ =	sdelay $0x3  }
0xa: {  	_ =	strace s19  }
0xb: {  	s3 =	sld [smem:$0x3FFC];
	_ =	sdelay $0x3  }
0xc: {  	_ =	strace s3  }
0xd: {  	s3 =	sld [smem:$0x3FFD];
	_ =	sdelay $0x3  }
0xe: {  	_ =	strace s3  }
0xf: {  	_ =	strace $0x8FFFFFFF  }
0x10: {  	s20 =	sld [smem:$0x3FDB];
	_ =	sdelay $0x1  }
0x11: {  	s4 =	simm.s32 $_scs_section_size  }
0x12: {  	s5 =	simm.s32 $_size__tile_overlayer_lowered;
	s6 =	simm.s32 $_tile_overlayer_lowered  }
0x13: {  	s23 =	simm.s32 $0x1BFF;
	s22 =	sshll.u32 s6, $0x1;
	s3 =	sadd.s32 s4, s20  }
0x14: {  	s7 =	simm.s32 $0x0;
	s21 =	sshll.u32 s5, $0x1;
	s5 =	sadd.s32 s22, s3  }
0x15: {  	[timem:s7], [sflag:s23] =	dma.local [hbm:s5], s21  }
0x16: {  	_ =	swait.ge [sflag:s23], s21  }
0x17: {  	s4 =	ssub.s32 $0x0, s21;
	[sflag:s23] =	ssyncset.done $0x0  }
0x18: {  	[sflag:s23] =	ssyncadd.s32 s4;
	_ =	sdelay $0x1  }
0x19: {  	s24 =	simm.s32 $0x1B8B  }
0x1a: {  	_ =	swait.ge [sflag:s24], $0x1  }
0x1b: {  	[sflag:s24] =	ssyncset.done $0x0  }
0x1c: {  	s26 =	simm.s32 $0x1B8E;
	s25 =	sld [smem:$0x3FFE];
	[sflag:s24] =	ssyncadd.s32 $0xFFFFFFFF  }
0x1d: {  	s27 =	simm.s32 $execute0_lowered;
	[smem:$0x3FD2] =	sst s26  }
0x1e: {  	s5 =	sshll.u32 s27, $0x1;
	_ =	strace $0x80000046;
	[dreg:$0x1] =	wrdreg $0xFFFFFFFF  }
0x1f: {  	s28 =	simm.s32 $_size_execute0_lowered;
	s3 =	sadd.s32 s3, s5;
	[dreg:$0x0] =	wrdreg $0x0  }
0x20: {  	s5 =	sshll.u32 s28, $0x1;
	[dreg:$0x2] =	wrdreg s3  }
0x21: {  	[dreg:$0x3] =	wrdreg s5  }
0x22: {  	[dreg:$0x4] =	wrdreg $0xC0  }
0x23: {  	_ =	task [dreg:s7], $0x5FFFF  }
0x24: {  	[dreg:$0x1] =	wrdreg $0xFFFFFFFF  }
0x25: {  	[dreg:$0x0] =	wrdreg $0x60  }
0x26: {  	[dreg:$0x2] =	wrdreg s25  }
0x27: {  	[dreg:$0x3] =	wrdreg s2  }
0x28: {  	[dreg:$0x4] =	wrdreg $0x9  }
0x29: {  	_ =	task.clear_ibuf [dreg:s7], $0x5FFFF;
	_ =	strace $0x90000046  }
0x2a: {  	s29 =	simm.s32 $0x9;
	_ =	strace $0x80000048  }
0x2b: {  	_ =	swait.ge [sflag:s29], $0x1  }
0x2c: {  	[sflag:s29] =	ssyncadd.s32 $0xFFFFFFFF  }
0x2d: {  	_ =	strace $0x90000048  }
0x2e: {  	_ =	sfence  }
0x2f: {  	s30 =	sld [smem:$0x0];
	_ =	sdelay $0x2  }
0x30: {  	s31 =	sshll.u32 s1, $0xD;
	s1 =	sshrl.u32 s1, $0x2  }
0x31: {  	s3 =	sand.u32 $0x4000, s31;
	s1 =	sadd.s32 s1, s30  }
0x32: {  	s0 =	sor.u32 s3, s0;
	s1 =	sshll.u32 s1, $0x11  }
0x33: {  	s0 =	sor.u32 s1, s0  }
0x34: {  	s0 =	sadd.s32 $0x8F2B, s0  }
0x35: {  	[sflag:s0] =	ssyncadd.remote.s32 $0x1  }
0x36: {  	_ =	sfence.sel $0xFFFF  }
0x37: {  	[dreg:$0x0] =	wrdreg $0xFFFFFFFF;
	(pc) =	sbr.abs _section_cstart, $3  }
0x38: {  	[dreg:$0x1] =	wrdreg $0xFFFFFFFF  }
0x39: {  	_ =	task.clear_ibuf [dreg:s7], $0x2FFFF;
	_ =	strace $0x9FFFFFFF  }
0x3a: {  	(tm) =	ssettm $0x7FFFFFFF  }
0x3b: {  	_ =	shalt  }
tec
execute0_lowered:
.L_overlay_start_1:
0x0: {  	(tag) =	ssettag $0x1  }
0x1: {  	s1 =	rddreg [dreg:$0x0]  }
0x2: {  	s2 =	rddreg [dreg:$0x1]  }
0x3: {  	s0 =	rddreg [dreg:$0x2]  }
0x4: {  	s4 =	srdreg.scid;
	_ =	strace $0x80000047;
	s6 =	simm.s32 $0x2  }
0x5: {  	s11 =	simm.s32 $0x0;
	p0 =	por $0x0, $0x0;
	s13 =	simm.s32 $0x0  }
.Ltmp0:
0x6: {  	s12 =	simm.s32 $0x0;
	s8 =	simm.s32 $0x0;
	(pc) =	sbr.rel .LBB1_1-.Ltmp0, $4  }
0x7: {  	s10 =	simm.s32 $0x0;
	s3 =	sadd.s32 $0x1800, s1;
	s4 =	sshll.u32 s4, $0x4  }
0x8: {  	s1 =	stileid.u32;
	s5 =	sand.u32 $0x10, s4;
	s4 =	simm.s32 $0x1  }
0x9: {  	s7 =	simm.s32 $0x0;
	s5 =	sor.u32 s1, s5;
	[sflag:s4] =	ssyncpa.u1 $0x0  }
0xa: {  	[sflag:s6] =	ssyncpa.u1 $0x0;
	s6 =	simm.s32 $0x1000;
	s9 =	smov.u32 s5  }
.LBB1_5:
0xb: {  	s14 =	sadd.s32 $0x80, s8  }
0xc: {  	s11 =	sadd.s32 $0x20, s9;
	s15 =	smov.u32 s9;
	p2 =	sgt.s32 s14, $0xFFF  }
0xd: {  	s15 =	smov.u32 @p2 s11  }
0xe: {  	s17 =	smov.u32 s10;
	s11 =	sadd.s32 $0x80, s10;
	p3 =	sgt.s32 s15, $0x1F  }
0xf: {  	p1 =	slt.u32 s7, $0x2;
	s17 =	smov.u32 @p3 s11  }
0x10: {  	s7 =	sadd.s32 $0x1, s7;
	s14 =	simm.s32 @p2 $0x0;
	p2 =	sgt.s32 s17, $0x7F  }
0x11: {  	s17 =	simm.s32 @p2 $0x0;
	p2 =	sne.s32 s7, $0x22  }
.Ltmp1:
0x12: {  	s16 =	simm.s32 @!p1 $0x2;
	(pc) =	sbr.rel @!p2 .LBB1_6-.Ltmp1, $4  }
0x13: {  	s13 =	smov.u32 s9;
	_ =	swait.ge @!p1 [sflag:s16], $0x4000  }
0x14: {  	s12 =	smov.u32 s10;
	p0 =	por !p0, !p0;
	[sflag:s16] =	ssyncset.done @!p1 $0x0  }
0x15: {  	s15 =	smov.u32 @p3 s5;
	s11 =	smov.u32 s8;
	[sflag:s16] =	ssyncadd.s32 @!p1 $0xFFFFC000  }
0x16: {  	s8 =	smov.u32 s14;
	s9 =	smov.u32 s15;
	s10 =	smov.u32 s17  }
.LBB1_1:
0x17: {  	p1 =	sgt.u32 s7, $0x1F  }
0x18: {  	s14 =	sxor.u32 @!p1 $0xFFFFFFFF, s7;
	s15 =	sand.u32 @!p1 $0x78, s8;
	s16 =	sshll.u32 @!p1 s9, $0xC  }
0x19: {  	s17 =	sshll.u32 @!p1 s9, $0x7;
	s18 =	sshll.u32 @!p1 s8, $0x3;
	s14 =	sshll.u32 @!p1 s14, $0xE  }
0x1a: {  	s16 =	sand.u32 @!p1 $0x18000, s16;
	s17 =	sand.u32 @!p1 $0x380, s17;
	s14 =	sand.u32 @!p1 $0x4000, s14  }
0x1b: {  	s16 =	sadd.s32 @!p1 s16, s18;
	s18 =	sand.u32 @!p1 $0xC00, s18;
	s15 =	sor.u32 @!p1 s17, s15  }
0x1c: {  	s17 =	sshll.u32 @!p1 s10, $0xE;
	s15 =	sor.u32 @!p1 s18, s15;
	s16 =	sshrl.u32 @!p1 s16, $0x3  }
0x1d: {  	s17 =	sadd.s32 @!p1 s3, s17;
	s18 =	sand.u32 @!p1 $0x7, s8;
	s16 =	sand.u32 @!p1 $0x3E00, s16  }
0x1e: {  	s15 =	sshrl.u32 @!p1 s15, $0x3;
	s16 =	sadd.s32 @!p1 s16, s17;
	s17 =	sshll.u32 @!p1 s18, $0x12  }
0x1f: {  	s15 =	sadd.s32 @!p1 s15, s16;
	s16 =	sor.u32 @!p1 $0x80, s17;
	s17 =	simm.s32 @!p1 $0x20000  }
0x20: {  	[tilespmem:s14], [sflag:$0x1] =	stream.strided.gather @!p1 [hbm4b:s15+s16], $0x4000, s17, s16, $0x38;
	[tilespmem:$0x10100] =	vst v63  }
0x21: {  	p1 =	seq.s32 s7, $0x0  }
0x22: {  	p2 =	seq.s32 @!p1 s7, $0x21  }
0x23: {  	p1 =	por p1, p2  }
.Ltmp2:
0x24: {  	_ = 	snop;
	(pc) =	sbr.rel @p1 .LBB1_5-.Ltmp2, $1  }
0x25: {  	_ =	sdelay $0x3  }
0x26: {  	s14 =	simm.s32 $0x1  }
0x27: {  	_ =	swait.ge [sflag:s4], $0x4000;
	s14 =	simm.s32 @!p0 $0x0  }
0x28: {  	[sflag:s4] =	ssyncset.done $0x0;
	s15 =	sshll.u32 s14, $0xE  }
0x29: {  	[sflag:s4] =	ssyncadd.s32 $0xFFFFC000;
	s16 =	sor.u32 $0x40, s15  }
0x2a: {  	s14 =	smul.u32 $0x10200, s14;
	v0 =	vld [tilespmem:s16+$0x30]  }
0x2b: {  	v3 =	vld [tilespmem:s16+$0xFFFFFFD0]  }
0x2c: {  	s14 =	sshrl.u32 s14, $0x2;
	v4 =	vld [tilespmem:s16+$0xFFFFFFE0]  }
0x2d: {  	v5 =	vld [tilespmem:s16+$0xFFFFFFF0];
	s15 =	sor.u32 $0x8000, s14  }
0x2e: {  	s31 =	sand.u32 $0x1, s7;
	v1 =	vld [tilespmem:s16+$0x0];
	s17 =	sadd.s32 $0x0, s15  }
0x2f: {  	v2 =	vld [tilespmem:s16+$0x10];
	s14 =	smul.u32 $0x10200, s31;
	[tilespmem:s17+$0x3870 ss:$0x81] =	vst.msk $0xffff, v0  }
0x30: {  	[tilespmem:s17+$0x810 ss:$0x81] =	vst.msk $0xffff, v3;
	v3 =	vld [tilespmem:s16+$0x20]  }
0x31: {  	s14 =	sshrl.u32 s14, $0x2;
	v0 =	vld [tilespmem:s16+$0xFFFFFFC0];
	[tilespmem:s17+$0x1020 ss:$0x81] =	vst.msk $0xffff, v4;
	s16 =	sadd.s32 $0x80, s16  }
0x32: {  	s18 =	simm.s32 $0x4;
	s19 =	simm.s32 $0x8;
	s14 =	sor.u32 $0x8000, s14;
	[tilespmem:s17+$0x1830 ss:$0x81] =	vst.msk $0xffff, v5;
	v4 =	vld [tilespmem:s16+$0x30]  }
.LBB1_3:
0x33: {  	p1 =	sne.s32 s19, $0x1FC;
	v5 =	vld [tilespmem:s16+$0xFFFFFFD0];
	[tilespmem:s17+$0x2040 ss:$0x81] =	vst.msk $0xffff, v1  }
0x34: {  	v6 =	vld [tilespmem:s16+$0xFFFFFFE0];
	[tilespmem:s17+$0x2850 ss:$0x81] =	vst.msk $0xffff, v2  }
0x35: {  	s20 =	sshra.s32 s18, $0x2;
	s18 =	smov.u32 s19;
	v7 =	vld [tilespmem:s16+$0xFFFFFFF0];
	[tilespmem:s17+$0x3060 ss:$0x81] =	vst.msk $0xffff, v3  }
.Ltmp3:
0x36: {  	v1 =	vld [tilespmem:s16+$0x0];
	[tilespmem:s17+$0x0 ss:$0x81] =	vst.msk $0xffff, v0;
	s17 =	sadd.s32 s20, s15;
	(pc) =	sbr.rel @p1 .LBB1_3-.Ltmp3, $4  }
0x37: {  	v2 =	vld [tilespmem:s16+$0x10];
	[tilespmem:s17+$0x3870 ss:$0x81] =	vst.msk $0xffff, v4  }
0x38: {  	[tilespmem:s17+$0x810 ss:$0x81] =	vst.msk $0xffff, v5;
	v3 =	vld [tilespmem:s16+$0x20]  }
0x39: {  	v0 =	vld [tilespmem:s16+$0xFFFFFFC0];
	[tilespmem:s17+$0x1020 ss:$0x81] =	vst.msk $0xffff, v6;
	s16 =	sadd.s32 $0x80, s16  }
0x3a: {  	s19 =	sadd.s32 $0x4, s19;
	v4 =	vld [tilespmem:s16+$0x30];
	[tilespmem:s17+$0x1830 ss:$0x81] =	vst.msk $0xffff, v7  }
0x3b: {  	v5 =	vld [tilespmem:s16+$0xFFFFFFD0];
	[tilespmem:s17+$0x2040 ss:$0x81] =	vst.msk $0xffff, v1  }
0x3c: {  	v58 =	vld [tilespmem:s16+$0xFFFFFFE0];
	[tilespmem:s17+$0x2850 ss:$0x81] =	vst.msk $0xffff, v2  }
0x3d: {  	s18 =	sshra.s32 s18, $0x2;
	v59 =	vld [tilespmem:s16+$0xFFFFFFF0];
	[tilespmem:s17+$0x3060 ss:$0x81] =	vst.msk $0xffff, v3  }
0x3e: {  	v60 =	vld [tilespmem:s16+$0x0];
	s15 =	sadd.s32 s18, s15;
	[tilespmem:s17+$0x0 ss:$0x81] =	vst.msk $0xffff, v0  }
0x3f: {  	v61 =	vld [tilespmem:s16+$0x10];
	[tilespmem:s15+$0x3870 ss:$0x81] =	vst.msk $0xffff, v4  }
0x40: {  	s13 =	sshll.u32 s13, $0x7;
	s27 =	sshll.u32 s12, $0x3;
	v62 =	vld [tilespmem:s16+$0x20];
	[tilespmem:s15+$0x810 ss:$0x81] =	vst.msk $0xffff, v5  }
0x41: {  	v63 =	vld [tilespmem:s16+$0xFFFFFFC0];
	s30 =	sshrl.u32 s12, $0x3;
	s28 =	sand.u32 $0xC00, s13;
	s17 =	sand.u32 $0xC00, s27;
	[tilespmem:s15+$0x1020 ss:$0x81] =	vst.msk $0xffff, v58  }
0x42: {  	s11 =	sshll.u32 s11, $0x9;
	s13 =	sand.u32 $0x380, s13;
	s29 =	sadd.s32 s17, s28;
	[tilespmem:s15+$0x1830 ss:$0x81] =	vst.msk $0xffff, v59  }
.Ltmp4:
0x43: {  	s16 =	sand.u32 $0xF, s30;
	s13 =	sor.u32 s13, s29;
	[tilespmem:s15+$0x2040 ss:$0x81] =	vst.msk $0xffff, v60;
	(pc) =	sbr.rel .LBB1_5-.Ltmp4, $4  }
0x44: {  	s31 =	sand.u32 $0x7, s12;
	s16 =	sadd.s32 s2, s16;
	[tilespmem:s15+$0x2850 ss:$0x81] =	vst.msk $0xffff, v61;
	s13 =	sshrl.u32 s13, $0x3  }
0x45: {  	s12 =	sshll.u32 s31, $0x12;
	s11 =	sadd.s32 s11, s16;
	[tilespmem:s15+$0x3060 ss:$0x81] =	vst.msk $0xffff, v62;
	s13 =	sand.u32 $0x1F0, s13  }
0x46: {  	s12 =	sor.u32 $0x80, s12;
	[tilespmem:s15+$0x0 ss:$0x81] =	vst.msk $0xffff, v63;
	s11 =	sadd.s32 s13, s11  }
0x47: {  	[hbm4b:s11+s12] =	stream.strided.scatter [tilespmem:s14], [sflag:$0x2], $0x4000, s6, s12, $0x20;
	[tilespmem:$0x10100] =	vst v63  }
.LBB1_6:
0x48: {  	_ =	sfence.sel $0x180000  }
0x49: {  	s2 =	simm.s32 $0x1;
	[bflag:$0x0] =	sbarrier.arrive $0xFFFF  }
0x4a: {  	s31 =	simm.s32 $0x2;
	[sflag:s2] =	ssyncpa.u1 $0x1  }
0x4b: {  	[sflag:s31] =	ssyncpa.u1 $0x1  }
0x4c: {  	p0 =	sne.s32 s1, $0x0;
	_ =	strace $0x90000047  }
0x4d: {  	s0 =	sadd.s32 @!p0 $0x100000, s0;
	[bflag:$0x2] =	sbarrier.arrive $0xFFFF  }
0x4e: {  	[sflag:s0] =	ssyncadd.tile.s32 @!p0 $0x1;
	_ =	shalt  }
.Lfunc_end1:
_tile_overlayer_lowered:
.L_overlay_start_2:
0x4f: {  	(tag) =	ssettag $0x2  }
0x50: {  	s0 =	rddreg [dreg:$0x0];
	s2 =	stileid.u32  }
0x51: {  	s1 =	rddreg [dreg:$0x1];
	p0 =	sne.s32 s2, $0x0  }
0x52: {  	s3 =	rddreg [dreg:$0x2];
	[bflag:$0x3] =	sbarrier.arrive $0xFFFF;
	s2 =	simm.s32 @!p0 $0x1C01  }
0x53: {  	[timem:s3], [sflag:s2] =	dma.local @!p0 [hbm:s0], s1  }
0x54: {  	s0 =	simm.s32 @!p0 $0x1  }
0x55: {  	_ =	swait.ge @!p0 [sflag:s0], s1  }
0x56: {  	s1 =	ssub.s32 @!p0 $0x0, s1;
	[sflag:s0] =	ssyncset.done @!p0 $0x0  }
0x57: {  	[sflag:s0] =	ssyncadd.s32 @!p0 s1  }
0x58: {  	[bflag:$0x3] =	sbarrier.arrive $0xFFFF  }
0x59: {  	_ =	shalt  }

</sc_bundles>
